<compile_context>
chip_gen: v7x
topology: tpu7x:2x2x1
jax: 0.10.2.dev20260603
libtpu: 0.0.44.dev20260713+nightly
codegen_flags: <defaults>
</compile_context>

<pallas_src>
import functools

import jax
import jax.numpy as jnp
from jax import lax
from jax.experimental import pallas as pl
from jax.experimental.pallas import tpu as pltpu
from jax.experimental.pallas import tpu_sc as plsc

RES_UP = 688
RES_DN = 20
N_PTS = 4194304

NC = 2
NS = 16
NW = NC * NS
L = 16

PER_TILE = N_PTS // NW
CHUNK = 2048
NCHUNK = PER_TILE // CHUNK
VPC = CHUNK // L
GB = 128
NG = CHUNK // GB

SG0_WORDS = RES_DN * RES_DN * RES_DN * 3
SG0_PAD = 24064


def _sigmoid_tc_body(x_ref, o_ref):
    o_ref[...] = jax.nn.sigmoid(x_ref[...])


def _sigmoid_tc(x2d):
    return pl.pallas_call(
        _sigmoid_tc_body,
        out_shape=jax.ShapeDtypeStruct(x2d.shape, x2d.dtype),
    )(x2d)


def _lerp(a, b, t):
    return a + t * (b - a)


def _sc_body(xf, t3, sg0, outf, xbuf, idxbuf, fubuf, fvbuf, rowsbuf, outbuf,
             sg0buf, sem):
    wid = lax.axis_index("s") * NC + lax.axis_index("c")
    base_pt = wid * PER_TILE
    lane = lax.iota(jnp.int32, L)

    pltpu.sync_copy(sg0, sg0buf)

    @pl.loop(0, NCHUNK)
    def _chunk(ch):
        pt0 = base_pt + ch * CHUNK
        pltpu.sync_copy(xf.at[pl.ds(pt0 * 2, CHUNK * 2)], xbuf)

        @pl.loop(0, VPC)
        def _p1(v):
            i2 = lane * 2 + v * (2 * L)
            x0 = plsc.load_gather(xbuf, [i2])
            x1 = plsc.load_gather(xbuf, [i2 + 1])
            u = jnp.minimum(jnp.maximum(x0, 0.0), 1.0) * (RES_UP - 1)
            w = jnp.minimum(jnp.maximum(x1, 0.0), 1.0) * (RES_UP - 1)
            ui = jnp.minimum(u.astype(jnp.int32), RES_UP - 2)
            vi = jnp.minimum(w.astype(jnp.int32), RES_UP - 2)
            sl = pl.ds(v * L, L)
            idxbuf[sl] = ui * RES_UP + vi
            fubuf[sl] = u - ui.astype(jnp.float32)
            fvbuf[sl] = w - vi.astype(jnp.float32)

        copies = []
        for j in range(NG):
            copies.append(pltpu.async_copy(
                t3.at[idxbuf.at[pl.ds(j * GB, GB)]],
                rowsbuf.at[pl.ds(j * GB, GB)], sem))
        for c in copies:
            c.wait()

        @pl.loop(0, VPC)
        def _p3(v):
            sl = pl.ds(v * L, L)
            fu = fubuf[sl]
            fv = fvbuf[sl]
            pidx = lane + v * L
            g1 = [plsc.load_gather(rowsbuf, [pidx, jnp.full((L,), c, jnp.int32)])
                  for c in range(12)]
            key = []
            for c in range(3):
                a = _lerp(g1[c], g1[3 + c], fv)
                b = _lerp(g1[6 + c], g1[9 + c], fv)
                key.append(_lerp(a, b, fu))

            t0 = key[0] * (RES_DN - 1)
            t1 = key[1] * (RES_DN - 1)
            t2 = key[2] * (RES_DN - 1)
            i0 = jnp.minimum(t0.astype(jnp.int32), RES_DN - 2)
            i1 = jnp.minimum(t1.astype(jnp.int32), RES_DN - 2)
            i2 = jnp.minimum(t2.astype(jnp.int32), RES_DN - 2)
            f0 = t0 - i0.astype(jnp.float32)
            f1 = t1 - i1.astype(jnp.float32)
            f2 = t2 - i2.astype(jnp.float32)
            b0 = i0 * (RES_DN * RES_DN * 3) + i1 * (RES_DN * 3) + i2 * 3

            for c in range(3):
                g = {}
                for du in (0, 1):
                    for dv in (0, 1):
                        for dw in (0, 1):
                            off = (du * (RES_DN * RES_DN * 3)
                                   + dv * (RES_DN * 3) + dw * 3 + c)
                            g[(du, dv, dw)] = plsc.load_gather(sg0buf, [b0 + off])
                c00 = _lerp(g[(0, 0, 0)], g[(0, 0, 1)], f2)
                c01 = _lerp(g[(0, 1, 0)], g[(0, 1, 1)], f2)
                c10 = _lerp(g[(1, 0, 0)], g[(1, 0, 1)], f2)
                c11 = _lerp(g[(1, 1, 0)], g[(1, 1, 1)], f2)
                c0 = _lerp(c00, c01, f1)
                c1 = _lerp(c10, c11, f1)
                res = _lerp(c0, c1, f0)
                plsc.store_scatter(outbuf, [lane * 3 + (v * (3 * L) + c)], res)

        pltpu.sync_copy(outbuf, outf.at[pl.ds(pt0 * 3, CHUNK * 3)])


@functools.partial(
    pl.kernel,
    out_type=jax.ShapeDtypeStruct((N_PTS * 3,), jnp.float32),
    mesh=plsc.VectorSubcoreMesh(core_axis_name="c", subcore_axis_name="s",
                                num_cores=NC, num_subcores=NS),
    compiler_params=pltpu.CompilerParams(needs_layout_passes=False,
                                         use_tc_tiling_on_sc=False),
    scratch_types=[
        pltpu.VMEM((CHUNK * 2,), jnp.float32),
        pltpu.VMEM((CHUNK,), jnp.int32),
        pltpu.VMEM((CHUNK,), jnp.float32),
        pltpu.VMEM((CHUNK,), jnp.float32),
        pltpu.VMEM((CHUNK, 16), jnp.float32),
        pltpu.VMEM((CHUNK * 3,), jnp.float32),
        pltpu.VMEM((SG0_PAD,), jnp.float32),
        pltpu.SemaphoreType.DMA,
    ],
)
def _sc_interp(xf, t3, sg0, outf, *rest):
    _sc_body(xf, t3, sg0, outf, *rest)


def kernel(x, grid1_table, grid0_table):
    sg1 = _sigmoid_tc(grid1_table.reshape(RES_UP * RES_UP * 3 // 128, 128))
    sg1 = sg1.reshape(RES_UP, RES_UP, 3)
    g0 = jnp.pad(grid0_table.reshape(-1), (0, SG0_PAD - SG0_WORDS))
    sg0 = _sigmoid_tc(g0.reshape(SG0_PAD // 128, 128)).reshape(-1)

    sg1p = jnp.pad(sg1, ((0, 1), (0, 1), (0, 0)))
    t3 = jnp.concatenate(
        [sg1p[:-1, :-1, :], sg1p[:-1, 1:, :], sg1p[1:, :-1, :], sg1p[1:, 1:, :],
         jnp.zeros((RES_UP, RES_UP, 4), jnp.float32)],
        axis=-1).reshape(RES_UP * RES_UP, 16)

    outf = _sc_interp(x.reshape(-1), t3, sg0)
    return outf.reshape(N_PTS, 3)

# --- scband reference (transcript-rebuilt; emitter-appended) ---
"""Pipeline reference for scband-network-p2-c3-321-21234318312194 (READ-ONLY COPY).

The authoritative reference and input builder live on the scoring server;
editing this copy changes nothing except your own understanding.
"""

import jax, jax.numpy as jnp
import numpy as np

# Derived from __init__ search with nativeResolution=2048, expectedCompression=10,
# latentIn=latentGUp=latentGDn=3, Q=7 (qFactor=0.875):
#   first loop  -> resolutionDn = 21 -> rounded to multiple of 4 -> 20
#   second loop -> resolutionUp = 686 -> rounded to multiple of 8 -> 688
RES_UP = 688
RES_DN = 20
N_PTS = 4194304  # 2048**2 query coordinates (full native-resolution image)


def _bilinear2d(coords, table):
    # coords: [N, 2] in [0, 1]; table: [U, V, C] (already normalized to [0,1])
    U, V, C = table.shape
    u = jnp.clip(coords[:, 0], 0.0, 1.0) * (U - 1)
    v = jnp.clip(coords[:, 1], 0.0, 1.0) * (V - 1)
    u0 = jnp.clip(jnp.floor(u).astype(jnp.int32), 0, U - 2)
    v0 = jnp.clip(jnp.floor(v).astype(jnp.int32), 0, V - 2)
    fu = (u - u0.astype(u.dtype))[:, None]
    fv = (v - v0.astype(v.dtype))[:, None]
    c00 = table[u0, v0]
    c01 = table[u0, v0 + 1]
    c10 = table[u0 + 1, v0]
    c11 = table[u0 + 1, v0 + 1]
    return (c00 * (1 - fu) * (1 - fv) + c01 * (1 - fu) * fv
            + c10 * fu * (1 - fv) + c11 * fu * fv)


def _trilinear3d(coords, table):
    # coords: [N, 3] in [0, 1]; table: [U, V, W, C]
    U, V, W, C = table.shape
    u = jnp.clip(coords[:, 0], 0.0, 1.0) * (U - 1)
    v = jnp.clip(coords[:, 1], 0.0, 1.0) * (V - 1)
    w = jnp.clip(coords[:, 2], 0.0, 1.0) * (W - 1)
    u0 = jnp.clip(jnp.floor(u).astype(jnp.int32), 0, U - 2)
    v0 = jnp.clip(jnp.floor(v).astype(jnp.int32), 0, V - 2)
    w0 = jnp.clip(jnp.floor(w).astype(jnp.int32), 0, W - 2)
    fu = (u - u0.astype(u.dtype))[:, None]
    fv = (v - v0.astype(v.dtype))[:, None]
    fw = (w - w0.astype(w.dtype))[:, None]
    c000 = table[u0, v0, w0]
    c001 = table[u0, v0, w0 + 1]
    c010 = table[u0, v0 + 1, w0]
    c011 = table[u0, v0 + 1, w0 + 1]
    c100 = table[u0 + 1, v0, w0]
    c101 = table[u0 + 1, v0, w0 + 1]
    c110 = table[u0 + 1, v0 + 1, w0]
    c111 = table[u0 + 1, v0 + 1, w0 + 1]
    return (c000 * (1 - fu) * (1 - fv) * (1 - fw)
            + c001 * (1 - fu) * (1 - fv) * fw
            + c010 * (1 - fu) * fv * (1 - fw)
            + c011 * (1 - fu) * fv * fw
            + c100 * fu * (1 - fv) * (1 - fw)
            + c101 * fu * (1 - fv) * fw
            + c110 * fu * fv * (1 - fw)
            + c111 * fu * fv * fw)


def setup_inputs(seed: int = 0) -> dict:
    key = jax.random.key(seed)
    k1, k2, k3 = jax.random.split(key, 3)
    # forward arg: 2D query coordinates in [0,1]^2
    x = jax.random.uniform(k1, (N_PTS, 2), dtype=jnp.float32)
    # learned params: SpatialGrid2D table (initMode 'U' -> uniform) and
    # SpatialGrid3D table (initMode 'R' -> random normal), initScale=1
    grid1_table = jax.random.uniform(k2, (RES_UP, RES_UP, 3), dtype=jnp.float32,
                                     minval=-1.0, maxval=1.0)
    grid0_table = jax.random.normal(k3, (RES_DN, RES_DN, RES_DN, 3), dtype=jnp.float32)
    return {"x": x, "grid1_table": grid1_table, "grid0_table": grid0_table}


def reference(x, grid1_table, grid0_table):
    # forward: grid0(grid1(x))
    # normalize=True -> NON_LINEARITY (sigmoid) applied to the raw table so
    # values lie in (0,1); grid1 output then serves as 3D coords for grid0.
    key_coords = _bilinear2d(x, jax.nn.sigmoid(grid1_table))
    out = _trilinear3d(key_coords, jax.nn.sigmoid(grid0_table))
    return out

if __name__ == "__main__":
    import jax
    _d = setup_inputs()
    print(jax.jit(kernel)(*tuple(_d.values())))

</pallas_src>

<mosaic_0001>
#map = affine_map<(d0, d1) -> (0)>
#map1 = affine_map<(d0, d1) -> (0, 0)>
module attributes {stable_mosaic.version = 14 : i64} {
  func.func @_sc_interp(%arg0: i32, %arg1: i32, %arg2: memref<8388608xf32, #tpu.memory_space<hbm>>, %arg3: memref<473344x16xf32, #tpu.memory_space<hbm>>, %arg4: memref<24064xf32, #tpu.memory_space<hbm>>, %arg5: memref<12582912xf32, #tpu.memory_space<hbm>>, %arg6: memref<4096xf32, #tpu.memory_space<vmem>>, %arg7: memref<2048xi32, #tpu.memory_space<vmem>>, %arg8: memref<2048xf32, #tpu.memory_space<vmem>>, %arg9: memref<2048xf32, #tpu.memory_space<vmem>>, %arg10: memref<2048x16xf32, #tpu.memory_space<vmem>>, %arg11: memref<6144xf32, #tpu.memory_space<vmem>>, %arg12: memref<24064xf32, #tpu.memory_space<vmem>>, %arg13: memref<!tpu.dma_semaphore, #tpu.memory_space<semaphore_mem>>) attributes {dimension_semantics = [#tpu.dimension_semantics<core_parallel>, #tpu.dimension_semantics<subcore_parallel>], iteration_bounds = array<i64: 2, 16>, scalar_prefetch = 0 : i64, scratch_operands = 8 : i64, tpu.core_type = #tpu.core_type<sc_vector_subcore>, window_params = [{transform_indices = #map}, {transform_indices = #map1}, {transform_indices = #map}, {transform_indices = #map}]} {
    %mul3A = arith.constant 2 : i32
    %mul3A_0 = arith.muli %arg1, %mul3A : i32
    %add3A = arith.addi %mul3A_0, %arg0 : i32
    %mul3A_1 = arith.constant 131072 : i32
    %mul3A_2 = arith.muli %add3A, %mul3A_1 : i32
    %iota3A = tpu.iota {dimensions = array<i32: 0>} : vector<16xi32>
    "tpu.region"() ({
      %run_scoped3A = tpu.sem_alloc : memref<!tpu.dma_semaphore, #tpu.memory_space<semaphore_mem>>
      tpu.enqueue_dma source(%arg4 : memref<24064xf32, #tpu.memory_space<hbm>>) target(%arg12 : memref<24064xf32, #tpu.memory_space<vmem>>) target_semaphore(%run_scoped3A : memref<!tpu.dma_semaphore, #tpu.memory_space<semaphore_mem>>)
      tpu.wait_dma2 semaphore(%run_scoped3A : memref<!tpu.dma_semaphore, #tpu.memory_space<semaphore_mem>>) src(%arg4 : memref<24064xf32, #tpu.memory_space<hbm>>) dst(%arg12 : memref<24064xf32, #tpu.memory_space<vmem>>)
      tpu.yield
    }) : () -> ()
    %scan3A = arith.constant 0 : i32
    %scan3A_3 = arith.constant 64 : i32
    %scan3A_4 = arith.addi %scan3A, %scan3A_3 : i32
    %scan3A_5 = arith.constant 1 : i32
    scf.for %scan3A_7 = %scan3A to %scan3A_4 step %scan3A_5  : i32 {
      %mul3A_8 = arith.constant 1 : i32
      %mul3A_9 = arith.muli %scan3A_7, %mul3A_8 : i32
      %add3A_10 = arith.constant 0 : i32
      %add3A_11 = arith.addi %add3A_10, %mul3A_9 : i32
      %mul3A_12 = arith.constant 2048 : i32
      %mul3A_13 = arith.muli %add3A_11, %mul3A_12 : i32
      %add3A_14 = arith.addi %mul3A_2, %mul3A_13 : i32
      %mul3A_15 = arith.constant 2 : i32
      %mul3A_16 = arith.muli %add3A_14, %mul3A_15 : i32
      "tpu.region"() ({
        %run_scoped3A = tpu.sem_alloc : memref<!tpu.dma_semaphore, #tpu.memory_space<semaphore_mem>>
        %dma_start3A_283 = tpu.memref_slice %arg2[%mul3A_16] : memref<8388608xf32, #tpu.memory_space<hbm>> -> memref<4096xf32, #tpu.memory_space<hbm>>
        %dma_start3A_284 = tpu.memref_slice %arg2[%mul3A_16] : memref<8388608xf32, #tpu.memory_space<hbm>> -> memref<4096xf32, #tpu.memory_space<hbm>>
        tpu.enqueue_dma source(%dma_start3A_284 : memref<4096xf32, #tpu.memory_space<hbm>>) target(%arg6 : memref<4096xf32, #tpu.memory_space<vmem>>) target_semaphore(%run_scoped3A : memref<!tpu.dma_semaphore, #tpu.memory_space<semaphore_mem>>)
        %dma_wait3A_285 = tpu.memref_slice %arg2[%mul3A_16] : memref<8388608xf32, #tpu.memory_space<hbm>> -> memref<4096xf32, #tpu.memory_space<hbm>>
        %dma_wait3A_286 = tpu.memref_slice %arg2[%mul3A_16] : memref<8388608xf32, #tpu.memory_space<hbm>> -> memref<4096xf32, #tpu.memory_space<hbm>>
        tpu.wait_dma2 semaphore(%run_scoped3A : memref<!tpu.dma_semaphore, #tpu.memory_space<semaphore_mem>>) src(%dma_wait3A_286 : memref<4096xf32, #tpu.memory_space<hbm>>) dst(%arg6 : memref<4096xf32, #tpu.memory_space<vmem>>)
        tpu.yield
      }) : () -> ()
      %scan3A_17 = arith.constant 0 : i32
      %scan3A_18 = arith.constant 128 : i32
      %scan3A_19 = arith.addi %scan3A_17, %scan3A_18 : i32
      %scan3A_20 = arith.constant 1 : i32
      scf.for %scan3A_283 = %scan3A_17 to %scan3A_19 step %scan3A_20  : i32 {
        %mul3A_284 = arith.constant 1 : i32
        %mul3A_285 = arith.muli %scan3A_283, %mul3A_284 : i32
        %add3A_286 = arith.constant 0 : i32
        %add3A_287 = arith.addi %add3A_286, %mul3A_285 : i32
        %mul3A_288 = arith.constant 2 : i32
        %mul3A_289 = vector.broadcast %mul3A_288 : i32 to vector<16xi32>
        %mul3A_290 = arith.muli %iota3A, %mul3A_289 : vector<16xi32>
        %mul3A_291 = arith.constant 32 : i32
        %mul3A_292 = arith.muli %add3A_287, %mul3A_291 : i32
        %add3A_293 = vector.broadcast %mul3A_292 : i32 to vector<16xi32>
        %add3A_294 = arith.addi %mul3A_290, %add3A_293 : vector<16xi32>
        %gather3A = tpu.vector_load_idx %arg6[%add3A_294] : memref<4096xf32, #tpu.memory_space<vmem>>[vector<16xi32>], vector<16xf32>,
        %add3A_295 = arith.constant 1 : i32
        %add3A_296 = vector.broadcast %add3A_295 : i32 to vector<16xi32>
        %add3A_297 = arith.addi %add3A_294, %add3A_296 : vector<16xi32>
        %gather3A_298 = tpu.vector_load_idx %arg6[%add3A_297] : memref<4096xf32, #tpu.memory_space<vmem>>[vector<16xi32>], vector<16xf32>,
        %max3A = arith.constant 0.000000e+00 : f32
        %max3A_299 = vector.broadcast %max3A : f32 to vector<16xf32>
        %max3A_300 = arith.maximumf %gather3A, %max3A_299 : vector<16xf32>
        %min3A = arith.constant 1.000000e+00 : f32
        %min3A_301 = vector.broadcast %min3A : f32 to vector<16xf32>
        %min3A_302 = arith.minimumf %max3A_300, %min3A_301 : vector<16xf32>
        %mul3A_303 = arith.constant 6.870000e+02 : f32
        %mul3A_304 = vector.broadcast %mul3A_303 : f32 to vector<16xf32>
        %mul3A_305 = arith.mulf %min3A_302, %mul3A_304 : vector<16xf32>
        %max3A_306 = arith.constant 0.000000e+00 : f32
        %max3A_307 = vector.broadcast %max3A_306 : f32 to vector<16xf32>
        %max3A_308 = arith.maximumf %gather3A_298, %max3A_307 : vector<16xf32>
        %min3A_309 = arith.constant 1.000000e+00 : f32
        %min3A_310 = vector.broadcast %min3A_309 : f32 to vector<16xf32>
        %min3A_311 = arith.minimumf %max3A_308, %min3A_310 : vector<16xf32>
        %mul3A_312 = arith.constant 6.870000e+02 : f32
        %mul3A_313 = vector.broadcast %mul3A_312 : f32 to vector<16xf32>
        %mul3A_314 = arith.mulf %min3A_311, %mul3A_313 : vector<16xf32>
        %convert_element_type3A = arith.fptosi %mul3A_305 : vector<16xf32> to vector<16xi32>
        %min3A_315 = arith.constant 686 : i32
        %min3A_316 = vector.broadcast %min3A_315 : i32 to vector<16xi32>
        %min3A_317 = arith.minsi %convert_element_type3A, %min3A_316 : vector<16xi32>
        %convert_element_type3A_318 = arith.fptosi %mul3A_314 : vector<16xf32> to vector<16xi32>
        %min3A_319 = arith.constant 686 : i32
        %min3A_320 = vector.broadcast %min3A_319 : i32 to vector<16xi32>
        %min3A_321 = arith.minsi %convert_element_type3A_318, %min3A_320 : vector<16xi32>
        %mul3A_322 = arith.constant 16 : i32
        %mul3A_323 = arith.muli %add3A_287, %mul3A_322 : i32
        %mul3A_324 = arith.constant 688 : i32
        %mul3A_325 = vector.broadcast %mul3A_324 : i32 to vector<16xi32>
        %mul3A_326 = arith.muli %min3A_317, %mul3A_325 : vector<16xi32>
        %add3A_327 = arith.addi %mul3A_326, %min3A_321 : vector<16xi32>
        %swap3A = arith.index_cast %mul3A_323 : i32 to index
        %swap3A_328 = tpu.vector_load %arg7[%swap3A] {strides = array<i32>} : memref<2048xi32, #tpu.memory_space<vmem>>, vector<16xi32>,
        tpu.vector_store %arg7[%swap3A], %add3A_327 {strides = array<i32>} : memref<2048xi32, #tpu.memory_space<vmem>>, vector<16xi32>,
        %convert_element_type3A_329 = arith.sitofp %min3A_317 : vector<16xi32> to vector<16xf32>
        %sub3A = arith.subf %mul3A_305, %convert_element_type3A_329 : vector<16xf32>
        %swap3A_330 = arith.index_cast %mul3A_323 : i32 to index
        %swap3A_331 = tpu.vector_load %arg8[%swap3A_330] {strides = array<i32>} : memref<2048xf32, #tpu.memory_space<vmem>>, vector<16xf32>,
        tpu.vector_store %arg8[%swap3A_330], %sub3A {strides = array<i32>} : memref<2048xf32, #tpu.memory_space<vmem>>, vector<16xf32>,
        %convert_element_type3A_332 = arith.sitofp %min3A_321 : vector<16xi32> to vector<16xf32>
        %sub3A_333 = arith.subf %mul3A_314, %convert_element_type3A_332 : vector<16xf32>
        %swap3A_334 = arith.index_cast %mul3A_323 : i32 to index
        %swap3A_335 = tpu.vector_load %arg9[%swap3A_334] {strides = array<i32>} : memref<2048xf32, #tpu.memory_space<vmem>>, vector<16xf32>,
        tpu.vector_store %arg9[%swap3A_334], %sub3A_333 {strides = array<i32>} : memref<2048xf32, #tpu.memory_space<vmem>>, vector<16xf32>,
      }
      %scan3A_21 = arith.constant 128 : i32
      %dma_start3A = arith.constant 0 : i32
      %dma_start3A_22 = arith.constant 0 : i32
      %dma_start3A_23 = tpu.memref_slice %arg10[%dma_start3A, %dma_start3A_22] : memref<2048x16xf32, #tpu.memory_space<vmem>> -> memref<128x16xf32, #tpu.memory_space<vmem>>
      %dma_start3A_24 = arith.constant 0 : i32
      %dma_start3A_25 = tpu.memref_slice %arg7[%dma_start3A_24] : memref<2048xi32, #tpu.memory_space<vmem>> -> memref<128xi32, #tpu.memory_space<vmem>>
      %dma_start3A_26 = arith.constant 0 : i32
      %dma_start3A_27 = arith.constant 0 : i32
      %dma_start3A_28 = tpu.memref_slice %arg3[%dma_start3A_26, %dma_start3A_27] : memref<473344x16xf32, #tpu.memory_space<hbm>> -> memref<473344x16xf32, #tpu.memory_space<hbm>>
      tpu.enqueue_indirect_dma source(%dma_start3A_28 : memref<473344x16xf32, #tpu.memory_space<hbm>>) target(%dma_start3A_23 : memref<128x16xf32, #tpu.memory_space<vmem>>) offsets(%dma_start3A_25 : memref<128xi32, #tpu.memory_space<vmem>>) semaphore(%arg13 : memref<!tpu.dma_semaphore, #tpu.memory_space<semaphore_mem>>)
      %dma_start3A_29 = arith.constant 128 : i32
      %dma_start3A_30 = arith.constant 0 : i32
      %dma_start3A_31 = tpu.memref_slice %arg10[%dma_start3A_29, %dma_start3A_30] : memref<2048x16xf32, #tpu.memory_space<vmem>> -> memref<128x16xf32, #tpu.memory_space<vmem>>
      %dma_start3A_32 = arith.constant 128 : i32
      %dma_start3A_33 = tpu.memref_slice %arg7[%dma_start3A_32] : memref<2048xi32, #tpu.memory_space<vmem>> -> memref<128xi32, #tpu.memory_space<vmem>>
      %dma_start3A_34 = arith.constant 0 : i32
      %dma_start3A_35 = arith.constant 0 : i32
      %dma_start3A_36 = tpu.memref_slice %arg3[%dma_start3A_34, %dma_start3A_35] : memref<473344x16xf32, #tpu.memory_space<hbm>> -> memref<473344x16xf32, #tpu.memory_space<hbm>>
      tpu.enqueue_indirect_dma source(%dma_start3A_36 : memref<473344x16xf32, #tpu.memory_space<hbm>>) target(%dma_start3A_31 : memref<128x16xf32, #tpu.memory_space<vmem>>) offsets(%dma_start3A_33 : memref<128xi32, #tpu.memory_space<vmem>>) semaphore(%arg13 : memref<!tpu.dma_semaphore, #tpu.memory_space<semaphore_mem>>)
      %dma_start3A_37 = arith.constant 256 : i32
      %dma_start3A_38 = arith.constant 0 : i32
      %dma_start3A_39 = tpu.memref_slice %arg10[%dma_start3A_37, %dma_start3A_38] : memref<2048x16xf32, #tpu.memory_space<vmem>> -> memref<128x16xf32, #tpu.memory_space<vmem>>
      %dma_start3A_40 = arith.constant 256 : i32
      %dma_start3A_41 = tpu.memref_slice %arg7[%dma_start3A_40] : memref<2048xi32, #tpu.memory_space<vmem>> -> memref<128xi32, #tpu.memory_space<vmem>>
      %dma_start3A_42 = arith.constant 0 : i32
      %dma_start3A_43 = arith.constant 0 : i32
      %dma_start3A_44 = tpu.memref_slice %arg3[%dma_start3A_42, %dma_start3A_43] : memref<473344x16xf32, #tpu.memory_space<hbm>> -> memref<473344x16xf32, #tpu.memory_space<hbm>>
      tpu.enqueue_indirect_dma source(%dma_start3A_44 : memref<473344x16xf32, #tpu.memory_space<hbm>>) target(%dma_start3A_39 : memref<128x16xf32, #tpu.memory_space<vmem>>) offsets(%dma_start3A_41 : memref<128xi32, #tpu.memory_space<vmem>>) semaphore(%arg13 : memref<!tpu.dma_semaphore, #tpu.memory_space<semaphore_mem>>)
      %dma_start3A_45 = arith.constant 384 : i32
      %dma_start3A_46 = arith.constant 0 : i32
      %dma_start3A_47 = tpu.memref_slice %arg10[%dma_start3A_45, %dma_start3A_46] : memref<2048x16xf32, #tpu.memory_space<vmem>> -> memref<128x16xf32, #tpu.memory_space<vmem>>
      %dma_start3A_48 = arith.constant 384 : i32
      %dma_start3A_49 = tpu.memref_slice %arg7[%dma_start3A_48] : memref<2048xi32, #tpu.memory_space<vmem>> -> memref<128xi32, #tpu.memory_space<vmem>>
      %dma_start3A_50 = arith.constant 0 : i32
      %dma_start3A_51 = arith.constant 0 : i32
      %dma_start3A_52 = tpu.memref_slice %arg3[%dma_start3A_50, %dma_start3A_51] : memref<473344x16xf32, #tpu.memory_space<hbm>> -> memref<473344x16xf32, #tpu.memory_space<hbm>>
      tpu.enqueue_indirect_dma source(%dma_start3A_52 : memref<473344x16xf32, #tpu.memory_space<hbm>>) target(%dma_start3A_47 : memref<128x16xf32, #tpu.memory_space<vmem>>) offsets(%dma_start3A_49 : memref<128xi32, #tpu.memory_space<vmem>>) semaphore(%arg13 : memref<!tpu.dma_semaphore, #tpu.memory_space<semaphore_mem>>)
      %dma_start3A_53 = arith.constant 512 : i32
      %dma_start3A_54 = arith.constant 0 : i32
      %dma_start3A_55 = tpu.memref_slice %arg10[%dma_start3A_53, %dma_start3A_54] : memref<2048x16xf32, #tpu.memory_space<vmem>> -> memref<128x16xf32, #tpu.memory_space<vmem>>
      %dma_start3A_56 = arith.constant 512 : i32
      %dma_start3A_57 = tpu.memref_slice %arg7[%dma_start3A_56] : memref<2048xi32, #tpu.memory_space<vmem>> -> memref<128xi32, #tpu.memory_space<vmem>>
      %dma_start3A_58 = arith.constant 0 : i32
      %dma_start3A_59 = arith.constant 0 : i32
      %dma_start3A_60 = tpu.memref_slice %arg3[%dma_start3A_58, %dma_start3A_59] : memref<473344x16xf32, #tpu.memory_space<hbm>> -> memref<473344x16xf32, #tpu.memory_space<hbm>>
      tpu.enqueue_indirect_dma source(%dma_start3A_60 : memref<473344x16xf32, #tpu.memory_space<hbm>>) target(%dma_start3A_55 : memref<128x16xf32, #tpu.memory_space<vmem>>) offsets(%dma_start3A_57 : memref<128xi32, #tpu.memory_space<vmem>>) semaphore(%arg13 : memref<!tpu.dma_semaphore, #tpu.memory_space<semaphore_mem>>)
      %dma_start3A_61 = arith.constant 640 : i32
      %dma_start3A_62 = arith.constant 0 : i32
      %dma_start3A_63 = tpu.memref_slice %arg10[%dma_start3A_61, %dma_start3A_62] : memref<2048x16xf32, #tpu.memory_space<vmem>> -> memref<128x16xf32, #tpu.memory_space<vmem>>
      %dma_start3A_64 = arith.constant 640 : i32
      %dma_start3A_65 = tpu.memref_slice %arg7[%dma_start3A_64] : memref<2048xi32, #tpu.memory_space<vmem>> -> memref<128xi32, #tpu.memory_space<vmem>>
      %dma_start3A_66 = arith.constant 0 : i32
      %dma_start3A_67 = arith.constant 0 : i32
      %dma_start3A_68 = tpu.memref_slice %arg3[%dma_start3A_66, %dma_start3A_67] : memref<473344x16xf32, #tpu.memory_space<hbm>> -> memref<473344x16xf32, #tpu.memory_space<hbm>>
      tpu.enqueue_indirect_dma source(%dma_start3A_68 : memref<473344x16xf32, #tpu.memory_space<hbm>>) target(%dma_start3A_63 : memref<128x16xf32, #tpu.memory_space<vmem>>) offsets(%dma_start3A_65 : memref<128xi32, #tpu.memory_space<vmem>>) semaphore(%arg13 : memref<!tpu.dma_semaphore, #tpu.memory_space<semaphore_mem>>)
      %dma_start3A_69 = arith.constant 768 : i32
      %dma_start3A_70 = arith.constant 0 : i32
      %dma_start3A_71 = tpu.memref_slice %arg10[%dma_start3A_69, %dma_start3A_70] : memref<2048x16xf32, #tpu.memory_space<vmem>> -> memref<128x16xf32, #tpu.memory_space<vmem>>
      %dma_start3A_72 = arith.constant 768 : i32
      %dma_start3A_73 = tpu.memref_slice %arg7[%dma_start3A_72] : memref<2048xi32, #tpu.memory_space<vmem>> -> memref<128xi32, #tpu.memory_space<vmem>>
      %dma_start3A_74 = arith.constant 0 : i32
      %dma_start3A_75 = arith.constant 0 : i32
      %dma_start3A_76 = tpu.memref_slice %arg3[%dma_start3A_74, %dma_start3A_75] : memref<473344x16xf32, #tpu.memory_space<hbm>> -> memref<473344x16xf32, #tpu.memory_space<hbm>>
      tpu.enqueue_indirect_dma source(%dma_start3A_76 : memref<473344x16xf32, #tpu.memory_space<hbm>>) target(%dma_start3A_71 : memref<128x16xf32, #tpu.memory_space<vmem>>) offsets(%dma_start3A_73 : memref<128xi32, #tpu.memory_space<vmem>>) semaphore(%arg13 : memref<!tpu.dma_semaphore, #tpu.memory_space<semaphore_mem>>)
      %dma_start3A_77 = arith.constant 896 : i32
      %dma_start3A_78 = arith.constant 0 : i32
      %dma_start3A_79 = tpu.memref_slice %arg10[%dma_start3A_77, %dma_start3A_78] : memref<2048x16xf32, #tpu.memory_space<vmem>> -> memref<128x16xf32, #tpu.memory_space<vmem>>
      %dma_start3A_80 = arith.constant 896 : i32
      %dma_start3A_81 = tpu.memref_slice %arg7[%dma_start3A_80] : memref<2048xi32, #tpu.memory_space<vmem>> -> memref<128xi32, #tpu.memory_space<vmem>>
      %dma_start3A_82 = arith.constant 0 : i32
      %dma_start3A_83 = arith.constant 0 : i32
      %dma_start3A_84 = tpu.memref_slice %arg3[%dma_start3A_82, %dma_start3A_83] : memref<473344x16xf32, #tpu.memory_space<hbm>> -> memref<473344x16xf32, #tpu.memory_space<hbm>>
      tpu.enqueue_indirect_dma source(%dma_start3A_84 : memref<473344x16xf32, #tpu.memory_space<hbm>>) target(%dma_start3A_79 : memref<128x16xf32, #tpu.memory_space<vmem>>) offsets(%dma_start3A_81 : memref<128xi32, #tpu.memory_space<vmem>>) semaphore(%arg13 : memref<!tpu.dma_semaphore, #tpu.memory_space<semaphore_mem>>)
      %dma_start3A_85 = arith.constant 1024 : i32
      %dma_start3A_86 = arith.constant 0 : i32
      %dma_start3A_87 = tpu.memref_slice %arg10[%dma_start3A_85, %dma_start3A_86] : memref<2048x16xf32, #tpu.memory_space<vmem>> -> memref<128x16xf32, #tpu.memory_space<vmem>>
      %dma_start3A_88 = arith.constant 1024 : i32
      %dma_start3A_89 = tpu.memref_slice %arg7[%dma_start3A_88] : memref<2048xi32, #tpu.memory_space<vmem>> -> memref<128xi32, #tpu.memory_space<vmem>>
      %dma_start3A_90 = arith.constant 0 : i32
      %dma_start3A_91 = arith.constant 0 : i32
      %dma_start3A_92 = tpu.memref_slice %arg3[%dma_start3A_90, %dma_start3A_91] : memref<473344x16xf32, #tpu.memory_space<hbm>> -> memref<473344x16xf32, #tpu.memory_space<hbm>>
      tpu.enqueue_indirect_dma source(%dma_start3A_92 : memref<473344x16xf32, #tpu.memory_space<hbm>>) target(%dma_start3A_87 : memref<128x16xf32, #tpu.memory_space<vmem>>) offsets(%dma_start3A_89 : memref<128xi32, #tpu.memory_space<vmem>>) semaphore(%arg13 : memref<!tpu.dma_semaphore, #tpu.memory_space<semaphore_mem>>)
      %dma_start3A_93 = arith.constant 1152 : i32
      %dma_start3A_94 = arith.constant 0 : i32
      %dma_start3A_95 = tpu.memref_slice %arg10[%dma_start3A_93, %dma_start3A_94] : memref<2048x16xf32, #tpu.memory_space<vmem>> -> memref<128x16xf32, #tpu.memory_space<vmem>>
      %dma_start3A_96 = arith.constant 1152 : i32
      %dma_start3A_97 = tpu.memref_slice %arg7[%dma_start3A_96] : memref<2048xi32, #tpu.memory_space<vmem>> -> memref<128xi32, #tpu.memory_space<vmem>>
      %dma_start3A_98 = arith.constant 0 : i32
      %dma_start3A_99 = arith.constant 0 : i32
      %dma_start3A_100 = tpu.memref_slice %arg3[%dma_start3A_98, %dma_start3A_99] : memref<473344x16xf32, #tpu.memory_space<hbm>> -> memref<473344x16xf32, #tpu.memory_space<hbm>>
      tpu.enqueue_indirect_dma source(%dma_start3A_100 : memref<473344x16xf32, #tpu.memory_space<hbm>>) target(%dma_start3A_95 : memref<128x16xf32, #tpu.memory_space<vmem>>) offsets(%dma_start3A_97 : memref<128xi32, #tpu.memory_space<vmem>>) semaphore(%arg13 : memref<!tpu.dma_semaphore, #tpu.memory_space<semaphore_mem>>)
      %dma_start3A_101 = arith.constant 1280 : i32
      %dma_start3A_102 = arith.constant 0 : i32
      %dma_start3A_103 = tpu.memref_slice %arg10[%dma_start3A_101, %dma_start3A_102] : memref<2048x16xf32, #tpu.memory_space<vmem>> -> memref<128x16xf32, #tpu.memory_space<vmem>>
      %dma_start3A_104 = arith.constant 1280 : i32
      %dma_start3A_105 = tpu.memref_slice %arg7[%dma_start3A_104] : memref<2048xi32, #tpu.memory_space<vmem>> -> memref<128xi32, #tpu.memory_space<vmem>>
      %dma_start3A_106 = arith.constant 0 : i32
      %dma_start3A_107 = arith.constant 0 : i32
      %dma_start3A_108 = tpu.memref_slice %arg3[%dma_start3A_106, %dma_start3A_107] : memref<473344x16xf32, #tpu.memory_space<hbm>> -> memref<473344x16xf32, #tpu.memory_space<hbm>>
      tpu.enqueue_indirect_dma source(%dma_start3A_108 : memref<473344x16xf32, #tpu.memory_space<hbm>>) target(%dma_start3A_103 : memref<128x16xf32, #tpu.memory_space<vmem>>) offsets(%dma_start3A_105 : memref<128xi32, #tpu.memory_space<vmem>>) semaphore(%arg13 : memref<!tpu.dma_semaphore, #tpu.memory_space<semaphore_mem>>)
      %dma_start3A_109 = arith.constant 1408 : i32
      %dma_start3A_110 = arith.constant 0 : i32
      %dma_start3A_111 = tpu.memref_slice %arg10[%dma_start3A_109, %dma_start3A_110] : memref<2048x16xf32, #tpu.memory_space<vmem>> -> memref<128x16xf32, #tpu.memory_space<vmem>>
      %dma_start3A_112 = arith.constant 1408 : i32
      %dma_start3A_113 = tpu.memref_slice %arg7[%dma_start3A_112] : memref<2048xi32, #tpu.memory_space<vmem>> -> memref<128xi32, #tpu.memory_space<vmem>>
      %dma_start3A_114 = arith.constant 0 : i32
      %dma_start3A_115 = arith.constant 0 : i32
      %dma_start3A_116 = tpu.memref_slice %arg3[%dma_start3A_114, %dma_start3A_115] : memref<473344x16xf32, #tpu.memory_space<hbm>> -> memref<473344x16xf32, #tpu.memory_space<hbm>>
      tpu.enqueue_indirect_dma source(%dma_start3A_116 : memref<473344x16xf32, #tpu.memory_space<hbm>>) target(%dma_start3A_111 : memref<128x16xf32, #tpu.memory_space<vmem>>) offsets(%dma_start3A_113 : memref<128xi32, #tpu.memory_space<vmem>>) semaphore(%arg13 : memref<!tpu.dma_semaphore, #tpu.memory_space<semaphore_mem>>)
      %dma_start3A_117 = arith.constant 1536 : i32
      %dma_start3A_118 = arith.constant 0 : i32
      %dma_start3A_119 = tpu.memref_slice %arg10[%dma_start3A_117, %dma_start3A_118] : memref<2048x16xf32, #tpu.memory_space<vmem>> -> memref<128x16xf32, #tpu.memory_space<vmem>>
      %dma_start3A_120 = arith.constant 1536 : i32
      %dma_start3A_121 = tpu.memref_slice %arg7[%dma_start3A_120] : memref<2048xi32, #tpu.memory_space<vmem>> -> memref<128xi32, #tpu.memory_space<vmem>>
      %dma_start3A_122 = arith.constant 0 : i32
      %dma_start3A_123 = arith.constant 0 : i32
      %dma_start3A_124 = tpu.memref_slice %arg3[%dma_start3A_122, %dma_start3A_123] : memref<473344x16xf32, #tpu.memory_space<hbm>> -> memref<473344x16xf32, #tpu.memory_space<hbm>>
      tpu.enqueue_indirect_dma source(%dma_start3A_124 : memref<473344x16xf32, #tpu.memory_space<hbm>>) target(%dma_start3A_119 : memref<128x16xf32, #tpu.memory_space<vmem>>) offsets(%dma_start3A_121 : memref<128xi32, #tpu.memory_space<vmem>>) semaphore(%arg13 : memref<!tpu.dma_semaphore, #tpu.memory_space<semaphore_mem>>)
      %dma_start3A_125 = arith.constant 1664 : i32
      %dma_start3A_126 = arith.constant 0 : i32
      %dma_start3A_127 = tpu.memref_slice %arg10[%dma_start3A_125, %dma_start3A_126] : memref<2048x16xf32, #tpu.memory_space<vmem>> -> memref<128x16xf32, #tpu.memory_space<vmem>>
      %dma_start3A_128 = arith.constant 1664 : i32
      %dma_start3A_129 = tpu.memref_slice %arg7[%dma_start3A_128] : memref<2048xi32, #tpu.memory_space<vmem>> -> memref<128xi32, #tpu.memory_space<vmem>>
      %dma_start3A_130 = arith.constant 0 : i32
      %dma_start3A_131 = arith.constant 0 : i32
      %dma_start3A_132 = tpu.memref_slice %arg3[%dma_start3A_130, %dma_start3A_131] : memref<473344x16xf32, #tpu.memory_space<hbm>> -> memref<473344x16xf32, #tpu.memory_space<hbm>>
      tpu.enqueue_indirect_dma source(%dma_start3A_132 : memref<473344x16xf32, #tpu.memory_space<hbm>>) target(%dma_start3A_127 : memref<128x16xf32, #tpu.memory_space<vmem>>) offsets(%dma_start3A_129 : memref<128xi32, #tpu.memory_space<vmem>>) semaphore(%arg13 : memref<!tpu.dma_semaphore, #tpu.memory_space<semaphore_mem>>)
      %dma_start3A_133 = arith.constant 1792 : i32
      %dma_start3A_134 = arith.constant 0 : i32
      %dma_start3A_135 = tpu.memref_slice %arg10[%dma_start3A_133, %dma_start3A_134] : memref<2048x16xf32, #tpu.memory_space<vmem>> -> memref<128x16xf32, #tpu.memory_space<vmem>>
      %dma_start3A_136 = arith.constant 1792 : i32
      %dma_start3A_137 = tpu.memref_slice %arg7[%dma_start3A_136] : memref<2048xi32, #tpu.memory_space<vmem>> -> memref<128xi32, #tpu.memory_space<vmem>>
      %dma_start3A_138 = arith.constant 0 : i32
      %dma_start3A_139 = arith.constant 0 : i32
      %dma_start3A_140 = tpu.memref_slice %arg3[%dma_start3A_138, %dma_start3A_139] : memref<473344x16xf32, #tpu.memory_space<hbm>> -> memref<473344x16xf32, #tpu.memory_space<hbm>>
      tpu.enqueue_indirect_dma source(%dma_start3A_140 : memref<473344x16xf32, #tpu.memory_space<hbm>>) target(%dma_start3A_135 : memref<128x16xf32, #tpu.memory_space<vmem>>) offsets(%dma_start3A_137 : memref<128xi32, #tpu.memory_space<vmem>>) semaphore(%arg13 : memref<!tpu.dma_semaphore, #tpu.memory_space<semaphore_mem>>)
      %dma_start3A_141 = arith.constant 1920 : i32
      %dma_start3A_142 = arith.constant 0 : i32
      %dma_start3A_143 = tpu.memref_slice %arg10[%dma_start3A_141, %dma_start3A_142] : memref<2048x16xf32, #tpu.memory_space<vmem>> -> memref<128x16xf32, #tpu.memory_space<vmem>>
      %dma_start3A_144 = arith.constant 1920 : i32
      %dma_start3A_145 = tpu.memref_slice %arg7[%dma_start3A_144] : memref<2048xi32, #tpu.memory_space<vmem>> -> memref<128xi32, #tpu.memory_space<vmem>>
      %dma_start3A_146 = arith.constant 0 : i32
      %dma_start3A_147 = arith.constant 0 : i32
      %dma_start3A_148 = tpu.memref_slice %arg3[%dma_start3A_146, %dma_start3A_147] : memref<473344x16xf32, #tpu.memory_space<hbm>> -> memref<473344x16xf32, #tpu.memory_space<hbm>>
      tpu.enqueue_indirect_dma source(%dma_start3A_148 : memref<473344x16xf32, #tpu.memory_space<hbm>>) target(%dma_start3A_143 : memref<128x16xf32, #tpu.memory_space<vmem>>) offsets(%dma_start3A_145 : memref<128xi32, #tpu.memory_space<vmem>>) semaphore(%arg13 : memref<!tpu.dma_semaphore, #tpu.memory_space<semaphore_mem>>)
      %dma_wait3A = arith.constant 0 : i32
      %dma_wait3A_149 = arith.constant 0 : i32
      %dma_wait3A_150 = tpu.memref_slice %arg10[%dma_wait3A, %dma_wait3A_149] : memref<2048x16xf32, #tpu.memory_space<vmem>> -> memref<128x16xf32, #tpu.memory_space<vmem>>
      %dma_wait3A_151 = arith.constant 0 : i32
      %dma_wait3A_152 = tpu.memref_slice %arg7[%dma_wait3A_151] : memref<2048xi32, #tpu.memory_space<vmem>> -> memref<128xi32, #tpu.memory_space<vmem>>
      %dma_wait3A_153 = arith.constant 0 : i32
      %dma_wait3A_154 = arith.constant 0 : i32
      %dma_wait3A_155 = tpu.memref_slice %arg3[%dma_wait3A_153, %dma_wait3A_154] : memref<473344x16xf32, #tpu.memory_space<hbm>> -> memref<473344x16xf32, #tpu.memory_space<hbm>>
      tpu.wait_indirect_dma semaphore(%arg13 : memref<!tpu.dma_semaphore, #tpu.memory_space<semaphore_mem>>) src(%dma_wait3A_155 : memref<473344x16xf32, #tpu.memory_space<hbm>>) dst(%dma_wait3A_150 : memref<128x16xf32, #tpu.memory_space<vmem>>)
      %dma_wait3A_156 = arith.constant 128 : i32
      %dma_wait3A_157 = arith.constant 0 : i32
      %dma_wait3A_158 = tpu.memref_slice %arg10[%dma_wait3A_156, %dma_wait3A_157] : memref<2048x16xf32, #tpu.memory_space<vmem>> -> memref<128x16xf32, #tpu.memory_space<vmem>>
      %dma_wait3A_159 = arith.constant 128 : i32
      %dma_wait3A_160 = tpu.memref_slice %arg7[%dma_wait3A_159] : memref<2048xi32, #tpu.memory_space<vmem>> -> memref<128xi32, #tpu.memory_space<vmem>>
      %dma_wait3A_161 = arith.constant 0 : i32
      %dma_wait3A_162 = arith.constant 0 : i32
      %dma_wait3A_163 = tpu.memref_slice %arg3[%dma_wait3A_161, %dma_wait3A_162] : memref<473344x16xf32, #tpu.memory_space<hbm>> -> memref<473344x16xf32, #tpu.memory_space<hbm>>
      tpu.wait_indirect_dma semaphore(%arg13 : memref<!tpu.dma_semaphore, #tpu.memory_space<semaphore_mem>>) src(%dma_wait3A_163 : memref<473344x16xf32, #tpu.memory_space<hbm>>) dst(%dma_wait3A_158 : memref<128x16xf32, #tpu.memory_space<vmem>>)
      %dma_wait3A_164 = arith.constant 256 : i32
      %dma_wait3A_165 = arith.constant 0 : i32
      %dma_wait3A_166 = tpu.memref_slice %arg10[%dma_wait3A_164, %dma_wait3A_165] : memref<2048x16xf32, #tpu.memory_space<vmem>> -> memref<128x16xf32, #tpu.memory_space<vmem>>
      %dma_wait3A_167 = arith.constant 256 : i32
      %dma_wait3A_168 = tpu.memref_slice %arg7[%dma_wait3A_167] : memref<2048xi32, #tpu.memory_space<vmem>> -> memref<128xi32, #tpu.memory_space<vmem>>
      %dma_wait3A_169 = arith.constant 0 : i32
      %dma_wait3A_170 = arith.constant 0 : i32
      %dma_wait3A_171 = tpu.memref_slice %arg3[%dma_wait3A_169, %dma_wait3A_170] : memref<473344x16xf32, #tpu.memory_space<hbm>> -> memref<473344x16xf32, #tpu.memory_space<hbm>>
      tpu.wait_indirect_dma semaphore(%arg13 : memref<!tpu.dma_semaphore, #tpu.memory_space<semaphore_mem>>) src(%dma_wait3A_171 : memref<473344x16xf32, #tpu.memory_space<hbm>>) dst(%dma_wait3A_166 : memref<128x16xf32, #tpu.memory_space<vmem>>)
      %dma_wait3A_172 = arith.constant 384 : i32
      %dma_wait3A_173 = arith.constant 0 : i32
      %dma_wait3A_174 = tpu.memref_slice %arg10[%dma_wait3A_172, %dma_wait3A_173] : memref<2048x16xf32, #tpu.memory_space<vmem>> -> memref<128x16xf32, #tpu.memory_space<vmem>>
      %dma_wait3A_175 = arith.constant 384 : i32
      %dma_wait3A_176 = tpu.memref_slice %arg7[%dma_wait3A_175] : memref<2048xi32, #tpu.memory_space<vmem>> -> memref<128xi32, #tpu.memory_space<vmem>>
      %dma_wait3A_177 = arith.constant 0 : i32
      %dma_wait3A_178 = arith.constant 0 : i32
      %dma_wait3A_179 = tpu.memref_slice %arg3[%dma_wait3A_177, %dma_wait3A_178] : memref<473344x16xf32, #tpu.memory_space<hbm>> -> memref<473344x16xf32, #tpu.memory_space<hbm>>
      tpu.wait_indirect_dma semaphore(%arg13 : memref<!tpu.dma_semaphore, #tpu.memory_space<semaphore_mem>>) src(%dma_wait3A_179 : memref<473344x16xf32, #tpu.memory_space<hbm>>) dst(%dma_wait3A_174 : memref<128x16xf32, #tpu.memory_space<vmem>>)
      %dma_wait3A_180 = arith.constant 512 : i32
      %dma_wait3A_181 = arith.constant 0 : i32
      %dma_wait3A_182 = tpu.memref_slice %arg10[%dma_wait3A_180, %dma_wait3A_181] : memref<2048x16xf32, #tpu.memory_space<vmem>> -> memref<128x16xf32, #tpu.memory_space<vmem>>
      %dma_wait3A_183 = arith.constant 512 : i32
      %dma_wait3A_184 = tpu.memref_slice %arg7[%dma_wait3A_183] : memref<2048xi32, #tpu.memory_space<vmem>> -> memref<128xi32, #tpu.memory_space<vmem>>
      %dma_wait3A_185 = arith.constant 0 : i32
      %dma_wait3A_186 = arith.constant 0 : i32
      %dma_wait3A_187 = tpu.memref_slice %arg3[%dma_wait3A_185, %dma_wait3A_186] : memref<473344x16xf32, #tpu.memory_space<hbm>> -> memref<473344x16xf32, #tpu.memory_space<hbm>>
      tpu.wait_indirect_dma semaphore(%arg13 : memref<!tpu.dma_semaphore, #tpu.memory_space<semaphore_mem>>) src(%dma_wait3A_187 : memref<473344x16xf32, #tpu.memory_space<hbm>>) dst(%dma_wait3A_182 : memref<128x16xf32, #tpu.memory_space<vmem>>)
      %dma_wait3A_188 = arith.constant 640 : i32
      %dma_wait3A_189 = arith.constant 0 : i32
      %dma_wait3A_190 = tpu.memref_slice %arg10[%dma_wait3A_188, %dma_wait3A_189] : memref<2048x16xf32, #tpu.memory_space<vmem>> -> memref<128x16xf32, #tpu.memory_space<vmem>>
      %dma_wait3A_191 = arith.constant 640 : i32
      %dma_wait3A_192 = tpu.memref_slice %arg7[%dma_wait3A_191] : memref<2048xi32, #tpu.memory_space<vmem>> -> memref<128xi32, #tpu.memory_space<vmem>>
      %dma_wait3A_193 = arith.constant 0 : i32
      %dma_wait3A_194 = arith.constant 0 : i32
      %dma_wait3A_195 = tpu.memref_slice %arg3[%dma_wait3A_193, %dma_wait3A_194] : memref<473344x16xf32, #tpu.memory_space<hbm>> -> memref<473344x16xf32, #tpu.memory_space<hbm>>
      tpu.wait_indirect_dma semaphore(%arg13 : memref<!tpu.dma_semaphore, #tpu.memory_space<semaphore_mem>>) src(%dma_wait3A_195 : memref<473344x16xf32, #tpu.memory_space<hbm>>) dst(%dma_wait3A_190 : memref<128x16xf32, #tpu.memory_space<vmem>>)
      %dma_wait3A_196 = arith.constant 768 : i32
      %dma_wait3A_197 = arith.constant 0 : i32
      %dma_wait3A_198 = tpu.memref_slice %arg10[%dma_wait3A_196, %dma_wait3A_197] : memref<2048x16xf32, #tpu.memory_space<vmem>> -> memref<128x16xf32, #tpu.memory_space<vmem>>
      %dma_wait3A_199 = arith.constant 768 : i32
      %dma_wait3A_200 = tpu.memref_slice %arg7[%dma_wait3A_199] : memref<2048xi32, #tpu.memory_space<vmem>> -> memref<128xi32, #tpu.memory_space<vmem>>
      %dma_wait3A_201 = arith.constant 0 : i32
      %dma_wait3A_202 = arith.constant 0 : i32
      %dma_wait3A_203 = tpu.memref_slice %arg3[%dma_wait3A_201, %dma_wait3A_202] : memref<473344x16xf32, #tpu.memory_space<hbm>> -> memref<473344x16xf32, #tpu.memory_space<hbm>>
      tpu.wait_indirect_dma semaphore(%arg13 : memref<!tpu.dma_semaphore, #tpu.memory_space<semaphore_mem>>) src(%dma_wait3A_203 : memref<473344x16xf32, #tpu.memory_space<hbm>>) dst(%dma_wait3A_198 : memref<128x16xf32, #tpu.memory_space<vmem>>)
      %dma_wait3A_204 = arith.constant 896 : i32
      %dma_wait3A_205 = arith.constant 0 : i32
      %dma_wait3A_206 = tpu.memref_slice %arg10[%dma_wait3A_204, %dma_wait3A_205] : memref<2048x16xf32, #tpu.memory_space<vmem>> -> memref<128x16xf32, #tpu.memory_space<vmem>>
      %dma_wait3A_207 = arith.constant 896 : i32
      %dma_wait3A_208 = tpu.memref_slice %arg7[%dma_wait3A_207] : memref<2048xi32, #tpu.memory_space<vmem>> -> memref<128xi32, #tpu.memory_space<vmem>>
      %dma_wait3A_209 = arith.constant 0 : i32
      %dma_wait3A_210 = arith.constant 0 : i32
      %dma_wait3A_211 = tpu.memref_slice %arg3[%dma_wait3A_209, %dma_wait3A_210] : memref<473344x16xf32, #tpu.memory_space<hbm>> -> memref<473344x16xf32, #tpu.memory_space<hbm>>
      tpu.wait_indirect_dma semaphore(%arg13 : memref<!tpu.dma_semaphore, #tpu.memory_space<semaphore_mem>>) src(%dma_wait3A_211 : memref<473344x16xf32, #tpu.memory_space<hbm>>) dst(%dma_wait3A_206 : memref<128x16xf32, #tpu.memory_space<vmem>>)
      %dma_wait3A_212 = arith.constant 1024 : i32
      %dma_wait3A_213 = arith.constant 0 : i32
      %dma_wait3A_214 = tpu.memref_slice %arg10[%dma_wait3A_212, %dma_wait3A_213] : memref<2048x16xf32, #tpu.memory_space<vmem>> -> memref<128x16xf32, #tpu.memory_space<vmem>>
      %dma_wait3A_215 = arith.constant 1024 : i32
      %dma_wait3A_216 = tpu.memref_slice %arg7[%dma_wait3A_215] : memref<2048xi32, #tpu.memory_space<vmem>> -> memref<128xi32, #tpu.memory_space<vmem>>
      %dma_wait3A_217 = arith.constant 0 : i32
      %dma_wait3A_218 = arith.constant 0 : i32
      %dma_wait3A_219 = tpu.memref_slice %arg3[%dma_wait3A_217, %dma_wait3A_218] : memref<473344x16xf32, #tpu.memory_space<hbm>> -> memref<473344x16xf32, #tpu.memory_space<hbm>>
      tpu.wait_indirect_dma semaphore(%arg13 : memref<!tpu.dma_semaphore, #tpu.memory_space<semaphore_mem>>) src(%dma_wait3A_219 : memref<473344x16xf32, #tpu.memory_space<hbm>>) dst(%dma_wait3A_214 : memref<128x16xf32, #tpu.memory_space<vmem>>)
      %dma_wait3A_220 = arith.constant 1152 : i32
      %dma_wait3A_221 = arith.constant 0 : i32
      %dma_wait3A_222 = tpu.memref_slice %arg10[%dma_wait3A_220, %dma_wait3A_221] : memref<2048x16xf32, #tpu.memory_space<vmem>> -> memref<128x16xf32, #tpu.memory_space<vmem>>
      %dma_wait3A_223 = arith.constant 1152 : i32
      %dma_wait3A_224 = tpu.memref_slice %arg7[%dma_wait3A_223] : memref<2048xi32, #tpu.memory_space<vmem>> -> memref<128xi32, #tpu.memory_space<vmem>>
      %dma_wait3A_225 = arith.constant 0 : i32
      %dma_wait3A_226 = arith.constant 0 : i32
      %dma_wait3A_227 = tpu.memref_slice %arg3[%dma_wait3A_225, %dma_wait3A_226] : memref<473344x16xf32, #tpu.memory_space<hbm>> -> memref<473344x16xf32, #tpu.memory_space<hbm>>
      tpu.wait_indirect_dma semaphore(%arg13 : memref<!tpu.dma_semaphore, #tpu.memory_space<semaphore_mem>>) src(%dma_wait3A_227 : memref<473344x16xf32, #tpu.memory_space<hbm>>) dst(%dma_wait3A_222 : memref<128x16xf32, #tpu.memory_space<vmem>>)
      %dma_wait3A_228 = arith.constant 1280 : i32
      %dma_wait3A_229 = arith.constant 0 : i32
      %dma_wait3A_230 = tpu.memref_slice %arg10[%dma_wait3A_228, %dma_wait3A_229] : memref<2048x16xf32, #tpu.memory_space<vmem>> -> memref<128x16xf32, #tpu.memory_space<vmem>>
      %dma_wait3A_231 = arith.constant 1280 : i32
      %dma_wait3A_232 = tpu.memref_slice %arg7[%dma_wait3A_231] : memref<2048xi32, #tpu.memory_space<vmem>> -> memref<128xi32, #tpu.memory_space<vmem>>
      %dma_wait3A_233 = arith.constant 0 : i32
      %dma_wait3A_234 = arith.constant 0 : i32
      %dma_wait3A_235 = tpu.memref_slice %arg3[%dma_wait3A_233, %dma_wait3A_234] : memref<473344x16xf32, #tpu.memory_space<hbm>> -> memref<473344x16xf32, #tpu.memory_space<hbm>>
      tpu.wait_indirect_dma semaphore(%arg13 : memref<!tpu.dma_semaphore, #tpu.memory_space<semaphore_mem>>) src(%dma_wait3A_235 : memref<473344x16xf32, #tpu.memory_space<hbm>>) dst(%dma_wait3A_230 : memref<128x16xf32, #tpu.memory_space<vmem>>)
      %dma_wait3A_236 = arith.constant 1408 : i32
      %dma_wait3A_237 = arith.constant 0 : i32
      %dma_wait3A_238 = tpu.memref_slice %arg10[%dma_wait3A_236, %dma_wait3A_237] : memref<2048x16xf32, #tpu.memory_space<vmem>> -> memref<128x16xf32, #tpu.memory_space<vmem>>
      %dma_wait3A_239 = arith.constant 1408 : i32
      %dma_wait3A_240 = tpu.memref_slice %arg7[%dma_wait3A_239] : memref<2048xi32, #tpu.memory_space<vmem>> -> memref<128xi32, #tpu.memory_space<vmem>>
      %dma_wait3A_241 = arith.constant 0 : i32
      %dma_wait3A_242 = arith.constant 0 : i32
      %dma_wait3A_243 = tpu.memref_slice %arg3[%dma_wait3A_241, %dma_wait3A_242] : memref<473344x16xf32, #tpu.memory_space<hbm>> -> memref<473344x16xf32, #tpu.memory_space<hbm>>
      tpu.wait_indirect_dma semaphore(%arg13 : memref<!tpu.dma_semaphore, #tpu.memory_space<semaphore_mem>>) src(%dma_wait3A_243 : memref<473344x16xf32, #tpu.memory_space<hbm>>) dst(%dma_wait3A_238 : memref<128x16xf32, #tpu.memory_space<vmem>>)
      %dma_wait3A_244 = arith.constant 1536 : i32
      %dma_wait3A_245 = arith.constant 0 : i32
      %dma_wait3A_246 = tpu.memref_slice %arg10[%dma_wait3A_244, %dma_wait3A_245] : memref<2048x16xf32, #tpu.memory_space<vmem>> -> memref<128x16xf32, #tpu.memory_space<vmem>>
      %dma_wait3A_247 = arith.constant 1536 : i32
      %dma_wait3A_248 = tpu.memref_slice %arg7[%dma_wait3A_247] : memref<2048xi32, #tpu.memory_space<vmem>> -> memref<128xi32, #tpu.memory_space<vmem>>
      %dma_wait3A_249 = arith.constant 0 : i32
      %dma_wait3A_250 = arith.constant 0 : i32
      %dma_wait3A_251 = tpu.memref_slice %arg3[%dma_wait3A_249, %dma_wait3A_250] : memref<473344x16xf32, #tpu.memory_space<hbm>> -> memref<473344x16xf32, #tpu.memory_space<hbm>>
      tpu.wait_indirect_dma semaphore(%arg13 : memref<!tpu.dma_semaphore, #tpu.memory_space<semaphore_mem>>) src(%dma_wait3A_251 : memref<473344x16xf32, #tpu.memory_space<hbm>>) dst(%dma_wait3A_246 : memref<128x16xf32, #tpu.memory_space<vmem>>)
      %dma_wait3A_252 = arith.constant 1664 : i32
      %dma_wait3A_253 = arith.constant 0 : i32
      %dma_wait3A_254 = tpu.memref_slice %arg10[%dma_wait3A_252, %dma_wait3A_253] : memref<2048x16xf32, #tpu.memory_space<vmem>> -> memref<128x16xf32, #tpu.memory_space<vmem>>
      %dma_wait3A_255 = arith.constant 1664 : i32
      %dma_wait3A_256 = tpu.memref_slice %arg7[%dma_wait3A_255] : memref<2048xi32, #tpu.memory_space<vmem>> -> memref<128xi32, #tpu.memory_space<vmem>>
      %dma_wait3A_257 = arith.constant 0 : i32
      %dma_wait3A_258 = arith.constant 0 : i32
      %dma_wait3A_259 = tpu.memref_slice %arg3[%dma_wait3A_257, %dma_wait3A_258] : memref<473344x16xf32, #tpu.memory_space<hbm>> -> memref<473344x16xf32, #tpu.memory_space<hbm>>
      tpu.wait_indirect_dma semaphore(%arg13 : memref<!tpu.dma_semaphore, #tpu.memory_space<semaphore_mem>>) src(%dma_wait3A_259 : memref<473344x16xf32, #tpu.memory_space<hbm>>) dst(%dma_wait3A_254 : memref<128x16xf32, #tpu.memory_space<vmem>>)
      %dma_wait3A_260 = arith.constant 1792 : i32
      %dma_wait3A_261 = arith.constant 0 : i32
      %dma_wait3A_262 = tpu.memref_slice %arg10[%dma_wait3A_260, %dma_wait3A_261] : memref<2048x16xf32, #tpu.memory_space<vmem>> -> memref<128x16xf32, #tpu.memory_space<vmem>>
      %dma_wait3A_263 = arith.constant 1792 : i32
      %dma_wait3A_264 = tpu.memref_slice %arg7[%dma_wait3A_263] : memref<2048xi32, #tpu.memory_space<vmem>> -> memref<128xi32, #tpu.memory_space<vmem>>
      %dma_wait3A_265 = arith.constant 0 : i32
      %dma_wait3A_266 = arith.constant 0 : i32
      %dma_wait3A_267 = tpu.memref_slice %arg3[%dma_wait3A_265, %dma_wait3A_266] : memref<473344x16xf32, #tpu.memory_space<hbm>> -> memref<473344x16xf32, #tpu.memory_space<hbm>>
      tpu.wait_indirect_dma semaphore(%arg13 : memref<!tpu.dma_semaphore, #tpu.memory_space<semaphore_mem>>) src(%dma_wait3A_267 : memref<473344x16xf32, #tpu.memory_space<hbm>>) dst(%dma_wait3A_262 : memref<128x16xf32, #tpu.memory_space<vmem>>)
      %dma_wait3A_268 = arith.constant 1920 : i32
      %dma_wait3A_269 = arith.constant 0 : i32
      %dma_wait3A_270 = tpu.memref_slice %arg10[%dma_wait3A_268, %dma_wait3A_269] : memref<2048x16xf32, #tpu.memory_space<vmem>> -> memref<128x16xf32, #tpu.memory_space<vmem>>
      %dma_wait3A_271 = arith.constant 1920 : i32
      %dma_wait3A_272 = tpu.memref_slice %arg7[%dma_wait3A_271] : memref<2048xi32, #tpu.memory_space<vmem>> -> memref<128xi32, #tpu.memory_space<vmem>>
      %dma_wait3A_273 = arith.constant 0 : i32
      %dma_wait3A_274 = arith.constant 0 : i32
      %dma_wait3A_275 = tpu.memref_slice %arg3[%dma_wait3A_273, %dma_wait3A_274] : memref<473344x16xf32, #tpu.memory_space<hbm>> -> memref<473344x16xf32, #tpu.memory_space<hbm>>
      tpu.wait_indirect_dma semaphore(%arg13 : memref<!tpu.dma_semaphore, #tpu.memory_space<semaphore_mem>>) src(%dma_wait3A_275 : memref<473344x16xf32, #tpu.memory_space<hbm>>) dst(%dma_wait3A_270 : memref<128x16xf32, #tpu.memory_space<vmem>>)
      %scan3A_276 = arith.constant 0 : i32
      %scan3A_277 = arith.constant 128 : i32
      %scan3A_278 = arith.addi %scan3A_276, %scan3A_277 : i32
      %scan3A_279 = arith.constant 1 : i32
      scf.for %scan3A_283 = %scan3A_276 to %scan3A_278 step %scan3A_279  : i32 {
        %mul3A_284 = arith.constant 1 : i32
        %mul3A_285 = arith.muli %scan3A_283, %mul3A_284 : i32
        %add3A_286 = arith.constant 0 : i32
        %add3A_287 = arith.addi %add3A_286, %mul3A_285 : i32
        %mul3A_288 = arith.constant 16 : i32
        %mul3A_289 = arith.muli %add3A_287, %mul3A_288 : i32
        %get3A = arith.index_cast %mul3A_289 : i32 to index
        %get3A_290 = tpu.vector_load %arg8[%get3A] {strides = array<i32>} : memref<2048xf32, #tpu.memory_space<vmem>>, vector<16xf32>,
        %get3A_291 = arith.index_cast %mul3A_289 : i32 to index
        %get3A_292 = tpu.vector_load %arg9[%get3A_291] {strides = array<i32>} : memref<2048xf32, #tpu.memory_space<vmem>>, vector<16xf32>,
        %mul3A_293 = arith.constant 16 : i32
        %mul3A_294 = arith.muli %add3A_287, %mul3A_293 : i32
        %add3A_295 = vector.broadcast %mul3A_294 : i32 to vector<16xi32>
        %add3A_296 = arith.addi %iota3A, %add3A_295 : vector<16xi32>
        %broadcast_in_dim3A = arith.constant 0 : i32
        %broadcast_in_dim3A_297 = vector.broadcast %broadcast_in_dim3A : i32 to vector<16xi32>
        %gather3A = tpu.vector_load_idx %arg10[%add3A_296, %broadcast_in_dim3A_297] : memref<2048x16xf32, #tpu.memory_space<vmem>>[vector<16xi32>, vector<16xi32>], vector<16xf32>,
        %broadcast_in_dim3A_298 = arith.constant 1 : i32
        %broadcast_in_dim3A_299 = vector.broadcast %broadcast_in_dim3A_298 : i32 to vector<16xi32>
        %gather3A_300 = tpu.vector_load_idx %arg10[%add3A_296, %broadcast_in_dim3A_299] : memref<2048x16xf32, #tpu.memory_space<vmem>>[vector<16xi32>, vector<16xi32>], vector<16xf32>,
        %broadcast_in_dim3A_301 = arith.constant 2 : i32
        %broadcast_in_dim3A_302 = vector.broadcast %broadcast_in_dim3A_301 : i32 to vector<16xi32>
        %gather3A_303 = tpu.vector_load_idx %arg10[%add3A_296, %broadcast_in_dim3A_302] : memref<2048x16xf32, #tpu.memory_space<vmem>>[vector<16xi32>, vector<16xi32>], vector<16xf32>,
        %broadcast_in_dim3A_304 = arith.constant 3 : i32
        %broadcast_in_dim3A_305 = vector.broadcast %broadcast_in_dim3A_304 : i32 to vector<16xi32>
        %gather3A_306 = tpu.vector_load_idx %arg10[%add3A_296, %broadcast_in_dim3A_305] : memref<2048x16xf32, #tpu.memory_space<vmem>>[vector<16xi32>, vector<16xi32>], vector<16xf32>,
        %broadcast_in_dim3A_307 = arith.constant 4 : i32
        %broadcast_in_dim3A_308 = vector.broadcast %broadcast_in_dim3A_307 : i32 to vector<16xi32>
        %gather3A_309 = tpu.vector_load_idx %arg10[%add3A_296, %broadcast_in_dim3A_308] : memref<2048x16xf32, #tpu.memory_space<vmem>>[vector<16xi32>, vector<16xi32>], vector<16xf32>,
        %broadcast_in_dim3A_310 = arith.constant 5 : i32
        %broadcast_in_dim3A_311 = vector.broadcast %broadcast_in_dim3A_310 : i32 to vector<16xi32>
        %gather3A_312 = tpu.vector_load_idx %arg10[%add3A_296, %broadcast_in_dim3A_311] : memref<2048x16xf32, #tpu.memory_space<vmem>>[vector<16xi32>, vector<16xi32>], vector<16xf32>,
        %broadcast_in_dim3A_313 = arith.constant 6 : i32
        %broadcast_in_dim3A_314 = vector.broadcast %broadcast_in_dim3A_313 : i32 to vector<16xi32>
        %gather3A_315 = tpu.vector_load_idx %arg10[%add3A_296, %broadcast_in_dim3A_314] : memref<2048x16xf32, #tpu.memory_space<vmem>>[vector<16xi32>, vector<16xi32>], vector<16xf32>,
        %broadcast_in_dim3A_316 = arith.constant 7 : i32
        %broadcast_in_dim3A_317 = vector.broadcast %broadcast_in_dim3A_316 : i32 to vector<16xi32>
        %gather3A_318 = tpu.vector_load_idx %arg10[%add3A_296, %broadcast_in_dim3A_317] : memref<2048x16xf32, #tpu.memory_space<vmem>>[vector<16xi32>, vector<16xi32>], vector<16xf32>,
        %broadcast_in_dim3A_319 = arith.constant 8 : i32
        %broadcast_in_dim3A_320 = vector.broadcast %broadcast_in_dim3A_319 : i32 to vector<16xi32>
        %gather3A_321 = tpu.vector_load_idx %arg10[%add3A_296, %broadcast_in_dim3A_320] : memref<2048x16xf32, #tpu.memory_space<vmem>>[vector<16xi32>, vector<16xi32>], vector<16xf32>,
        %broadcast_in_dim3A_322 = arith.constant 9 : i32
        %broadcast_in_dim3A_323 = vector.broadcast %broadcast_in_dim3A_322 : i32 to vector<16xi32>
        %gather3A_324 = tpu.vector_load_idx %arg10[%add3A_296, %broadcast_in_dim3A_323] : memref<2048x16xf32, #tpu.memory_space<vmem>>[vector<16xi32>, vector<16xi32>], vector<16xf32>,
        %broadcast_in_dim3A_325 = arith.constant 10 : i32
        %broadcast_in_dim3A_326 = vector.broadcast %broadcast_in_dim3A_325 : i32 to vector<16xi32>
        %gather3A_327 = tpu.vector_load_idx %arg10[%add3A_296, %broadcast_in_dim3A_326] : memref<2048x16xf32, #tpu.memory_space<vmem>>[vector<16xi32>, vector<16xi32>], vector<16xf32>,
        %broadcast_in_dim3A_328 = arith.constant 11 : i32
        %broadcast_in_dim3A_329 = vector.broadcast %broadcast_in_dim3A_328 : i32 to vector<16xi32>
        %gather3A_330 = tpu.vector_load_idx %arg10[%add3A_296, %broadcast_in_dim3A_329] : memref<2048x16xf32, #tpu.memory_space<vmem>>[vector<16xi32>, vector<16xi32>], vector<16xf32>,
        %sub3A = arith.subf %gather3A_306, %gather3A : vector<16xf32>
        %mul3A_331 = arith.mulf %get3A_292, %sub3A : vector<16xf32>
        %add3A_332 = arith.addf %gather3A, %mul3A_331 : vector<16xf32>
        %sub3A_333 = arith.subf %gather3A_324, %gather3A_315 : vector<16xf32>
        %mul3A_334 = arith.mulf %get3A_292, %sub3A_333 : vector<16xf32>
        %add3A_335 = arith.addf %gather3A_315, %mul3A_334 : vector<16xf32>
        %sub3A_336 = arith.subf %add3A_335, %add3A_332 : vector<16xf32>
        %mul3A_337 = arith.mulf %get3A_290, %sub3A_336 : vector<16xf32>
        %add3A_338 = arith.addf %add3A_332, %mul3A_337 : vector<16xf32>
        %sub3A_339 = arith.subf %gather3A_309, %gather3A_300 : vector<16xf32>
        %mul3A_340 = arith.mulf %get3A_292, %sub3A_339 : vector<16xf32>
        %add3A_341 = arith.addf %gather3A_300, %mul3A_340 : vector<16xf32>
        %sub3A_342 = arith.subf %gather3A_327, %gather3A_318 : vector<16xf32>
        %mul3A_343 = arith.mulf %get3A_292, %sub3A_342 : vector<16xf32>
        %add3A_344 = arith.addf %gather3A_318, %mul3A_343 : vector<16xf32>
        %sub3A_345 = arith.subf %add3A_344, %add3A_341 : vector<16xf32>
        %mul3A_346 = arith.mulf %get3A_290, %sub3A_345 : vector<16xf32>
        %add3A_347 = arith.addf %add3A_341, %mul3A_346 : vector<16xf32>
        %sub3A_348 = arith.subf %gather3A_312, %gather3A_303 : vector<16xf32>
        %mul3A_349 = arith.mulf %get3A_292, %sub3A_348 : vector<16xf32>
        %add3A_350 = arith.addf %gather3A_303, %mul3A_349 : vector<16xf32>
        %sub3A_351 = arith.subf %gather3A_330, %gather3A_321 : vector<16xf32>
        %mul3A_352 = arith.mulf %get3A_292, %sub3A_351 : vector<16xf32>
        %add3A_353 = arith.addf %gather3A_321, %mul3A_352 : vector<16xf32>
        %sub3A_354 = arith.subf %add3A_353, %add3A_350 : vector<16xf32>
        %mul3A_355 = arith.mulf %get3A_290, %sub3A_354 : vector<16xf32>
        %add3A_356 = arith.addf %add3A_350, %mul3A_355 : vector<16xf32>
        %mul3A_357 = arith.constant 1.900000e+01 : f32
        %mul3A_358 = vector.broadcast %mul3A_357 : f32 to vector<16xf32>
        %mul3A_359 = arith.mulf %add3A_338, %mul3A_358 : vector<16xf32>
        %mul3A_360 = arith.constant 1.900000e+01 : f32
        %mul3A_361 = vector.broadcast %mul3A_360 : f32 to vector<16xf32>
        %mul3A_362 = arith.mulf %add3A_347, %mul3A_361 : vector<16xf32>
        %mul3A_363 = arith.constant 1.900000e+01 : f32
        %mul3A_364 = vector.broadcast %mul3A_363 : f32 to vector<16xf32>
        %mul3A_365 = arith.mulf %add3A_356, %mul3A_364 : vector<16xf32>
        %convert_element_type3A = arith.fptosi %mul3A_359 : vector<16xf32> to vector<16xi32>
        %min3A = arith.constant 18 : i32
        %min3A_366 = vector.broadcast %min3A : i32 to vector<16xi32>
        %min3A_367 = arith.minsi %convert_element_type3A, %min3A_366 : vector<16xi32>
        %convert_element_type3A_368 = arith.fptosi %mul3A_362 : vector<16xf32> to vector<16xi32>
        %min3A_369 = arith.constant 18 : i32
        %min3A_370 = vector.broadcast %min3A_369 : i32 to vector<16xi32>
        %min3A_371 = arith.minsi %convert_element_type3A_368, %min3A_370 : vector<16xi32>
        %convert_element_type3A_372 = arith.fptosi %mul3A_365 : vector<16xf32> to vector<16xi32>
        %min3A_373 = arith.constant 18 : i32
        %min3A_374 = vector.broadcast %min3A_373 : i32 to vector<16xi32>
        %min3A_375 = arith.minsi %convert_element_type3A_372, %min3A_374 : vector<16xi32>
        %convert_element_type3A_376 = arith.sitofp %min3A_367 : vector<16xi32> to vector<16xf32>
        %sub3A_377 = arith.subf %mul3A_359, %convert_element_type3A_376 : vector<16xf32>
        %convert_element_type3A_378 = arith.sitofp %min3A_371 : vector<16xi32> to vector<16xf32>
        %sub3A_379 = arith.subf %mul3A_362, %convert_element_type3A_378 : vector<16xf32>
        %convert_element_type3A_380 = arith.sitofp %min3A_375 : vector<16xi32> to vector<16xf32>
        %sub3A_381 = arith.subf %mul3A_365, %convert_element_type3A_380 : vector<16xf32>
        %mul3A_382 = arith.constant 1200 : i32
        %mul3A_383 = vector.broadcast %mul3A_382 : i32 to vector<16xi32>
        %mul3A_384 = arith.muli %min3A_367, %mul3A_383 : vector<16xi32>
        %mul3A_385 = arith.constant 60 : i32
        %mul3A_386 = vector.broadcast %mul3A_385 : i32 to vector<16xi32>
        %mul3A_387 = arith.muli %min3A_371, %mul3A_386 : vector<16xi32>
        %add3A_388 = arith.addi %mul3A_384, %mul3A_387 : vector<16xi32>
        %mul3A_389 = arith.constant 3 : i32
        %mul3A_390 = vector.broadcast %mul3A_389 : i32 to vector<16xi32>
        %mul3A_391 = arith.muli %min3A_375, %mul3A_390 : vector<16xi32>
        %add3A_392 = arith.addi %add3A_388, %mul3A_391 : vector<16xi32>
        %add3A_393 = arith.constant 0 : i32
        %add3A_394 = vector.broadcast %add3A_393 : i32 to vector<16xi32>
        %add3A_395 = arith.addi %add3A_392, %add3A_394 : vector<16xi32>
        %gather3A_396 = tpu.vector_load_idx %arg12[%add3A_395] : memref<24064xf32, #tpu.memory_space<vmem>>[vector<16xi32>], vector<16xf32>,
        %add3A_397 = arith.constant 3 : i32
        %add3A_398 = vector.broadcast %add3A_397 : i32 to vector<16xi32>
        %add3A_399 = arith.addi %add3A_392, %add3A_398 : vector<16xi32>
        %gather3A_400 = tpu.vector_load_idx %arg12[%add3A_399] : memref<24064xf32, #tpu.memory_space<vmem>>[vector<16xi32>], vector<16xf32>,
        %add3A_401 = arith.constant 60 : i32
        %add3A_402 = vector.broadcast %add3A_401 : i32 to vector<16xi32>
        %add3A_403 = arith.addi %add3A_392, %add3A_402 : vector<16xi32>
        %gather3A_404 = tpu.vector_load_idx %arg12[%add3A_403] : memref<24064xf32, #tpu.memory_space<vmem>>[vector<16xi32>], vector<16xf32>,
        %add3A_405 = arith.constant 63 : i32
        %add3A_406 = vector.broadcast %add3A_405 : i32 to vector<16xi32>
        %add3A_407 = arith.addi %add3A_392, %add3A_406 : vector<16xi32>
        %gather3A_408 = tpu.vector_load_idx %arg12[%add3A_407] : memref<24064xf32, #tpu.memory_space<vmem>>[vector<16xi32>], vector<16xf32>,
        %add3A_409 = arith.constant 1200 : i32
        %add3A_410 = vector.broadcast %add3A_409 : i32 to vector<16xi32>
        %add3A_411 = arith.addi %add3A_392, %add3A_410 : vector<16xi32>
        %gather3A_412 = tpu.vector_load_idx %arg12[%add3A_411] : memref<24064xf32, #tpu.memory_space<vmem>>[vector<16xi32>], vector<16xf32>,
        %add3A_413 = arith.constant 1203 : i32
        %add3A_414 = vector.broadcast %add3A_413 : i32 to vector<16xi32>
        %add3A_415 = arith.addi %add3A_392, %add3A_414 : vector<16xi32>
        %gather3A_416 = tpu.vector_load_idx %arg12[%add3A_415] : memref<24064xf32, #tpu.memory_space<vmem>>[vector<16xi32>], vector<16xf32>,
        %add3A_417 = arith.constant 1260 : i32
        %add3A_418 = vector.broadcast %add3A_417 : i32 to vector<16xi32>
        %add3A_419 = arith.addi %add3A_392, %add3A_418 : vector<16xi32>
        %gather3A_420 = tpu.vector_load_idx %arg12[%add3A_419] : memref<24064xf32, #tpu.memory_space<vmem>>[vector<16xi32>], vector<16xf32>,
        %add3A_421 = arith.constant 1263 : i32
        %add3A_422 = vector.broadcast %add3A_421 : i32 to vector<16xi32>
        %add3A_423 = arith.addi %add3A_392, %add3A_422 : vector<16xi32>
        %gather3A_424 = tpu.vector_load_idx %arg12[%add3A_423] : memref<24064xf32, #tpu.memory_space<vmem>>[vector<16xi32>], vector<16xf32>,
        %sub3A_425 = arith.subf %gather3A_400, %gather3A_396 : vector<16xf32>
        %mul3A_426 = arith.mulf %sub3A_381, %sub3A_425 : vector<16xf32>
        %add3A_427 = arith.addf %gather3A_396, %mul3A_426 : vector<16xf32>
        %sub3A_428 = arith.subf %gather3A_408, %gather3A_404 : vector<16xf32>
        %mul3A_429 = arith.mulf %sub3A_381, %sub3A_428 : vector<16xf32>
        %add3A_430 = arith.addf %gather3A_404, %mul3A_429 : vector<16xf32>
        %sub3A_431 = arith.subf %gather3A_416, %gather3A_412 : vector<16xf32>
        %mul3A_432 = arith.mulf %sub3A_381, %sub3A_431 : vector<16xf32>
        %add3A_433 = arith.addf %gather3A_412, %mul3A_432 : vector<16xf32>
        %sub3A_434 = arith.subf %gather3A_424, %gather3A_420 : vector<16xf32>
        %mul3A_435 = arith.mulf %sub3A_381, %sub3A_434 : vector<16xf32>
        %add3A_436 = arith.addf %gather3A_420, %mul3A_435 : vector<16xf32>
        %sub3A_437 = arith.subf %add3A_430, %add3A_427 : vector<16xf32>
        %mul3A_438 = arith.mulf %sub3A_379, %sub3A_437 : vector<16xf32>
        %add3A_439 = arith.addf %add3A_427, %mul3A_438 : vector<16xf32>
        %sub3A_440 = arith.subf %add3A_436, %add3A_433 : vector<16xf32>
        %mul3A_441 = arith.mulf %sub3A_379, %sub3A_440 : vector<16xf32>
        %add3A_442 = arith.addf %add3A_433, %mul3A_441 : vector<16xf32>
        %sub3A_443 = arith.subf %add3A_442, %add3A_439 : vector<16xf32>
        %mul3A_444 = arith.mulf %sub3A_377, %sub3A_443 : vector<16xf32>
        %add3A_445 = arith.addf %add3A_439, %mul3A_444 : vector<16xf32>
        %mul3A_446 = arith.constant 3 : i32
        %mul3A_447 = vector.broadcast %mul3A_446 : i32 to vector<16xi32>
        %mul3A_448 = arith.muli %iota3A, %mul3A_447 : vector<16xi32>
        %mul3A_449 = arith.constant 48 : i32
        %mul3A_450 = arith.muli %add3A_287, %mul3A_449 : i32
        %add3A_451 = arith.constant 0 : i32
        %add3A_452 = arith.addi %mul3A_450, %add3A_451 : i32
        %add3A_453 = vector.broadcast %add3A_452 : i32 to vector<16xi32>
        %add3A_454 = arith.addi %mul3A_448, %add3A_453 : vector<16xi32>
        tpu.vector_store_idx %arg11[%add3A_454], %add3A_445 : memref<6144xf32, #tpu.memory_space<vmem>>[vector<16xi32>], vector<16xf32>,
        %add3A_455 = arith.constant 1 : i32
        %add3A_456 = vector.broadcast %add3A_455 : i32 to vector<16xi32>
        %add3A_457 = arith.addi %add3A_392, %add3A_456 : vector<16xi32>
        %gather3A_458 = tpu.vector_load_idx %arg12[%add3A_457] : memref<24064xf32, #tpu.memory_space<vmem>>[vector<16xi32>], vector<16xf32>,
        %add3A_459 = arith.constant 4 : i32
        %add3A_460 = vector.broadcast %add3A_459 : i32 to vector<16xi32>
        %add3A_461 = arith.addi %add3A_392, %add3A_460 : vector<16xi32>
        %gather3A_462 = tpu.vector_load_idx %arg12[%add3A_461] : memref<24064xf32, #tpu.memory_space<vmem>>[vector<16xi32>], vector<16xf32>,
        %add3A_463 = arith.constant 61 : i32
        %add3A_464 = vector.broadcast %add3A_463 : i32 to vector<16xi32>
        %add3A_465 = arith.addi %add3A_392, %add3A_464 : vector<16xi32>
        %gather3A_466 = tpu.vector_load_idx %arg12[%add3A_465] : memref<24064xf32, #tpu.memory_space<vmem>>[vector<16xi32>], vector<16xf32>,
        %add3A_467 = arith.constant 64 : i32
        %add3A_468 = vector.broadcast %add3A_467 : i32 to vector<16xi32>
        %add3A_469 = arith.addi %add3A_392, %add3A_468 : vector<16xi32>
        %gather3A_470 = tpu.vector_load_idx %arg12[%add3A_469] : memref<24064xf32, #tpu.memory_space<vmem>>[vector<16xi32>], vector<16xf32>,
        %add3A_471 = arith.constant 1201 : i32
        %add3A_472 = vector.broadcast %add3A_471 : i32 to vector<16xi32>
        %add3A_473 = arith.addi %add3A_392, %add3A_472 : vector<16xi32>
        %gather3A_474 = tpu.vector_load_idx %arg12[%add3A_473] : memref<24064xf32, #tpu.memory_space<vmem>>[vector<16xi32>], vector<16xf32>,
        %add3A_475 = arith.constant 1204 : i32
        %add3A_476 = vector.broadcast %add3A_475 : i32 to vector<16xi32>
        %add3A_477 = arith.addi %add3A_392, %add3A_476 : vector<16xi32>
        %gather3A_478 = tpu.vector_load_idx %arg12[%add3A_477] : memref<24064xf32, #tpu.memory_space<vmem>>[vector<16xi32>], vector<16xf32>,
        %add3A_479 = arith.constant 1261 : i32
        %add3A_480 = vector.broadcast %add3A_479 : i32 to vector<16xi32>
        %add3A_481 = arith.addi %add3A_392, %add3A_480 : vector<16xi32>
        %gather3A_482 = tpu.vector_load_idx %arg12[%add3A_481] : memref<24064xf32, #tpu.memory_space<vmem>>[vector<16xi32>], vector<16xf32>,
        %add3A_483 = arith.constant 1264 : i32
        %add3A_484 = vector.broadcast %add3A_483 : i32 to vector<16xi32>
        %add3A_485 = arith.addi %add3A_392, %add3A_484 : vector<16xi32>
        %gather3A_486 = tpu.vector_load_idx %arg12[%add3A_485] : memref<24064xf32, #tpu.memory_space<vmem>>[vector<16xi32>], vector<16xf32>,
        %sub3A_487 = arith.subf %gather3A_462, %gather3A_458 : vector<16xf32>
        %mul3A_488 = arith.mulf %sub3A_381, %sub3A_487 : vector<16xf32>
        %add3A_489 = arith.addf %gather3A_458, %mul3A_488 : vector<16xf32>
        %sub3A_490 = arith.subf %gather3A_470, %gather3A_466 : vector<16xf32>
        %mul3A_491 = arith.mulf %sub3A_381, %sub3A_490 : vector<16xf32>
        %add3A_492 = arith.addf %gather3A_466, %mul3A_491 : vector<16xf32>
        %sub3A_493 = arith.subf %gather3A_478, %gather3A_474 : vector<16xf32>
        %mul3A_494 = arith.mulf %sub3A_381, %sub3A_493 : vector<16xf32>
        %add3A_495 = arith.addf %gather3A_474, %mul3A_494 : vector<16xf32>
        %sub3A_496 = arith.subf %gather3A_486, %gather3A_482 : vector<16xf32>
        %mul3A_497 = arith.mulf %sub3A_381, %sub3A_496 : vector<16xf32>
        %add3A_498 = arith.addf %gather3A_482, %mul3A_497 : vector<16xf32>
        %sub3A_499 = arith.subf %add3A_492, %add3A_489 : vector<16xf32>
        %mul3A_500 = arith.mulf %sub3A_379, %sub3A_499 : vector<16xf32>
        %add3A_501 = arith.addf %add3A_489, %mul3A_500 : vector<16xf32>
        %sub3A_502 = arith.subf %add3A_498, %add3A_495 : vector<16xf32>
        %mul3A_503 = arith.mulf %sub3A_379, %sub3A_502 : vector<16xf32>
        %add3A_504 = arith.addf %add3A_495, %mul3A_503 : vector<16xf32>
        %sub3A_505 = arith.subf %add3A_504, %add3A_501 : vector<16xf32>
        %mul3A_506 = arith.mulf %sub3A_377, %sub3A_505 : vector<16xf32>
        %add3A_507 = arith.addf %add3A_501, %mul3A_506 : vector<16xf32>
        %mul3A_508 = arith.constant 3 : i32
        %mul3A_509 = vector.broadcast %mul3A_508 : i32 to vector<16xi32>
        %mul3A_510 = arith.muli %iota3A, %mul3A_509 : vector<16xi32>
        %mul3A_511 = arith.constant 48 : i32
        %mul3A_512 = arith.muli %add3A_287, %mul3A_511 : i32
        %add3A_513 = arith.constant 1 : i32
        %add3A_514 = arith.addi %mul3A_512, %add3A_513 : i32
        %add3A_515 = vector.broadcast %add3A_514 : i32 to vector<16xi32>
        %add3A_516 = arith.addi %mul3A_510, %add3A_515 : vector<16xi32>
        tpu.vector_store_idx %arg11[%add3A_516], %add3A_507 : memref<6144xf32, #tpu.memory_space<vmem>>[vector<16xi32>], vector<16xf32>,
        %add3A_517 = arith.constant 2 : i32
        %add3A_518 = vector.broadcast %add3A_517 : i32 to vector<16xi32>
        %add3A_519 = arith.addi %add3A_392, %add3A_518 : vector<16xi32>
        %gather3A_520 = tpu.vector_load_idx %arg12[%add3A_519] : memref<24064xf32, #tpu.memory_space<vmem>>[vector<16xi32>], vector<16xf32>,
        %add3A_521 = arith.constant 5 : i32
        %add3A_522 = vector.broadcast %add3A_521 : i32 to vector<16xi32>
        %add3A_523 = arith.addi %add3A_392, %add3A_522 : vector<16xi32>
        %gather3A_524 = tpu.vector_load_idx %arg12[%add3A_523] : memref<24064xf32, #tpu.memory_space<vmem>>[vector<16xi32>], vector<16xf32>,
        %add3A_525 = arith.constant 62 : i32
        %add3A_526 = vector.broadcast %add3A_525 : i32 to vector<16xi32>
        %add3A_527 = arith.addi %add3A_392, %add3A_526 : vector<16xi32>
        %gather3A_528 = tpu.vector_load_idx %arg12[%add3A_527] : memref<24064xf32, #tpu.memory_space<vmem>>[vector<16xi32>], vector<16xf32>,
        %add3A_529 = arith.constant 65 : i32
        %add3A_530 = vector.broadcast %add3A_529 : i32 to vector<16xi32>
        %add3A_531 = arith.addi %add3A_392, %add3A_530 : vector<16xi32>
        %gather3A_532 = tpu.vector_load_idx %arg12[%add3A_531] : memref<24064xf32, #tpu.memory_space<vmem>>[vector<16xi32>], vector<16xf32>,
        %add3A_533 = arith.constant 1202 : i32
        %add3A_534 = vector.broadcast %add3A_533 : i32 to vector<16xi32>
        %add3A_535 = arith.addi %add3A_392, %add3A_534 : vector<16xi32>
        %gather3A_536 = tpu.vector_load_idx %arg12[%add3A_535] : memref<24064xf32, #tpu.memory_space<vmem>>[vector<16xi32>], vector<16xf32>,
        %add3A_537 = arith.constant 1205 : i32
        %add3A_538 = vector.broadcast %add3A_537 : i32 to vector<16xi32>
        %add3A_539 = arith.addi %add3A_392, %add3A_538 : vector<16xi32>
        %gather3A_540 = tpu.vector_load_idx %arg12[%add3A_539] : memref<24064xf32, #tpu.memory_space<vmem>>[vector<16xi32>], vector<16xf32>,
        %add3A_541 = arith.constant 1262 : i32
        %add3A_542 = vector.broadcast %add3A_541 : i32 to vector<16xi32>
        %add3A_543 = arith.addi %add3A_392, %add3A_542 : vector<16xi32>
        %gather3A_544 = tpu.vector_load_idx %arg12[%add3A_543] : memref<24064xf32, #tpu.memory_space<vmem>>[vector<16xi32>], vector<16xf32>,
        %add3A_545 = arith.constant 1265 : i32
        %add3A_546 = vector.broadcast %add3A_545 : i32 to vector<16xi32>
        %add3A_547 = arith.addi %add3A_392, %add3A_546 : vector<16xi32>
        %gather3A_548 = tpu.vector_load_idx %arg12[%add3A_547] : memref<24064xf32, #tpu.memory_space<vmem>>[vector<16xi32>], vector<16xf32>,
        %sub3A_549 = arith.subf %gather3A_524, %gather3A_520 : vector<16xf32>
        %mul3A_550 = arith.mulf %sub3A_381, %sub3A_549 : vector<16xf32>
        %add3A_551 = arith.addf %gather3A_520, %mul3A_550 : vector<16xf32>
        %sub3A_552 = arith.subf %gather3A_532, %gather3A_528 : vector<16xf32>
        %mul3A_553 = arith.mulf %sub3A_381, %sub3A_552 : vector<16xf32>
        %add3A_554 = arith.addf %gather3A_528, %mul3A_553 : vector<16xf32>
        %sub3A_555 = arith.subf %gather3A_540, %gather3A_536 : vector<16xf32>
        %mul3A_556 = arith.mulf %sub3A_381, %sub3A_555 : vector<16xf32>
        %add3A_557 = arith.addf %gather3A_536, %mul3A_556 : vector<16xf32>
        %sub3A_558 = arith.subf %gather3A_548, %gather3A_544 : vector<16xf32>
        %mul3A_559 = arith.mulf %sub3A_381, %sub3A_558 : vector<16xf32>
        %add3A_560 = arith.addf %gather3A_544, %mul3A_559 : vector<16xf32>
        %sub3A_561 = arith.subf %add3A_554, %add3A_551 : vector<16xf32>
        %mul3A_562 = arith.mulf %sub3A_379, %sub3A_561 : vector<16xf32>
        %add3A_563 = arith.addf %add3A_551, %mul3A_562 : vector<16xf32>
        %sub3A_564 = arith.subf %add3A_560, %add3A_557 : vector<16xf32>
        %mul3A_565 = arith.mulf %sub3A_379, %sub3A_564 : vector<16xf32>
        %add3A_566 = arith.addf %add3A_557, %mul3A_565 : vector<16xf32>
        %sub3A_567 = arith.subf %add3A_566, %add3A_563 : vector<16xf32>
        %mul3A_568 = arith.mulf %sub3A_377, %sub3A_567 : vector<16xf32>
        %add3A_569 = arith.addf %add3A_563, %mul3A_568 : vector<16xf32>
        %mul3A_570 = arith.constant 3 : i32
        %mul3A_571 = vector.broadcast %mul3A_570 : i32 to vector<16xi32>
        %mul3A_572 = arith.muli %iota3A, %mul3A_571 : vector<16xi32>
        %mul3A_573 = arith.constant 48 : i32
        %mul3A_574 = arith.muli %add3A_287, %mul3A_573 : i32
        %add3A_575 = arith.constant 2 : i32
        %add3A_576 = arith.addi %mul3A_574, %add3A_575 : i32
        %add3A_577 = vector.broadcast %add3A_576 : i32 to vector<16xi32>
        %add3A_578 = arith.addi %mul3A_572, %add3A_577 : vector<16xi32>
        tpu.vector_store_idx %arg11[%add3A_578], %add3A_569 : memref<6144xf32, #tpu.memory_space<vmem>>[vector<16xi32>], vector<16xf32>,
      }
      %scan3A_280 = arith.constant 128 : i32
      %mul3A_281 = arith.constant 3 : i32
      %mul3A_282 = arith.muli %add3A_14, %mul3A_281 : i32
      "tpu.region"() ({
        %run_scoped3A = tpu.sem_alloc : memref<!tpu.dma_semaphore, #tpu.memory_space<semaphore_mem>>
        %dma_start3A_283 = tpu.memref_slice %arg5[%mul3A_282] : memref<12582912xf32, #tpu.memory_space<hbm>> -> memref<6144xf32, #tpu.memory_space<hbm>>
        %dma_start3A_284 = tpu.memref_slice %arg5[%mul3A_282] : memref<12582912xf32, #tpu.memory_space<hbm>> -> memref<6144xf32, #tpu.memory_space<hbm>>
        tpu.enqueue_dma source(%arg11 : memref<6144xf32, #tpu.memory_space<vmem>>) target(%dma_start3A_284 : memref<6144xf32, #tpu.memory_space<hbm>>) target_semaphore(%run_scoped3A : memref<!tpu.dma_semaphore, #tpu.memory_space<semaphore_mem>>)
        %dma_wait3A_285 = tpu.memref_slice %arg5[%mul3A_282] : memref<12582912xf32, #tpu.memory_space<hbm>> -> memref<6144xf32, #tpu.memory_space<hbm>>
        %dma_wait3A_286 = tpu.memref_slice %arg5[%mul3A_282] : memref<12582912xf32, #tpu.memory_space<hbm>> -> memref<6144xf32, #tpu.memory_space<hbm>>
        tpu.wait_dma2 semaphore(%run_scoped3A : memref<!tpu.dma_semaphore, #tpu.memory_space<semaphore_mem>>) src(%arg11 : memref<6144xf32, #tpu.memory_space<vmem>>) dst(%dma_wait3A_286 : memref<6144xf32, #tpu.memory_space<hbm>>)
        tpu.yield
      }) : () -> ()
    }
    %scan3A_6 = arith.constant 64 : i32
    return
  }
}

module attributes {stable_mosaic.version = 14 : i64} {
  func.func @_sigmoid_tc_body(%arg0: memref<11094x128xf32, #tpu.memory_space<vmem>>, %arg1: memref<11094x128xf32, #tpu.memory_space<vmem>>) attributes {dimension_semantics = [], scalar_prefetch = 0 : i64, scratch_operands = 0 : i64, tpu.core_type = #tpu.core_type<tc>} {
    %get3A = arith.constant 0 : index
    %get3A_0 = arith.constant 0 : index
    %get3A_1 = vector.load %arg0[%get3A, %get3A_0] : memref<11094x128xf32, #tpu.memory_space<vmem>>, vector<11094x128xf32>
    %logistic3A = arith.negf %get3A_1 : vector<11094x128xf32>
    %logistic3A_2 = math.exp %logistic3A : vector<11094x128xf32>
    %logistic3A_3 = arith.constant 1.000000e+00 : f32
    %logistic3A_4 = vector.broadcast %logistic3A_3 : f32 to vector<11094x128xf32>
    %logistic3A_5 = arith.addf %logistic3A_4, %logistic3A_2 : vector<11094x128xf32>
    %logistic3A_6 = arith.divf %logistic3A_4, %logistic3A_5 : vector<11094x128xf32>
    %swap3A = arith.constant 0 : index
    %swap3A_7 = arith.constant 0 : index
    %swap3A_8 = vector.load %arg1[%swap3A, %swap3A_7] : memref<11094x128xf32, #tpu.memory_space<vmem>>, vector<11094x128xf32>
    tpu.vector_store %arg1[%swap3A, %swap3A_7], %logistic3A_6 {strides = array<i32>} : memref<11094x128xf32, #tpu.memory_space<vmem>>, vector<11094x128xf32>,
    return
  }
}

module attributes {stable_mosaic.version = 14 : i64} {
  func.func @_sigmoid_tc_body(%arg0: memref<188x128xf32, #tpu.memory_space<vmem>>, %arg1: memref<188x128xf32, #tpu.memory_space<vmem>>) attributes {dimension_semantics = [], scalar_prefetch = 0 : i64, scratch_operands = 0 : i64, tpu.core_type = #tpu.core_type<tc>} {
    %get3A = arith.constant 0 : index
    %get3A_0 = arith.constant 0 : index
    %get3A_1 = vector.load %arg0[%get3A, %get3A_0] : memref<188x128xf32, #tpu.memory_space<vmem>>, vector<188x128xf32>
    %logistic3A = arith.negf %get3A_1 : vector<188x128xf32>
    %logistic3A_2 = math.exp %logistic3A : vector<188x128xf32>
    %logistic3A_3 = arith.constant 1.000000e+00 : f32
    %logistic3A_4 = vector.broadcast %logistic3A_3 : f32 to vector<188x128xf32>
    %logistic3A_5 = arith.addf %logistic3A_4, %logistic3A_2 : vector<188x128xf32>
    %logistic3A_6 = arith.divf %logistic3A_4, %logistic3A_5 : vector<188x128xf32>
    %swap3A = arith.constant 0 : index
    %swap3A_7 = arith.constant 0 : index
    %swap3A_8 = vector.load %arg1[%swap3A, %swap3A_7] : memref<188x128xf32, #tpu.memory_space<vmem>>, vector<188x128xf32>
    tpu.vector_store %arg1[%swap3A, %swap3A_7], %logistic3A_6 {strides = array<i32>} : memref<188x128xf32, #tpu.memory_space<vmem>>, vector<188x128xf32>,
    return
  }
}

</mosaic_0001>

<sc_bundles>
// kernel: kernel.5.cloned.1.call-start
scs
__scs_entry_jumppad:
0x0: {  	(pc) =	sbr.rel $0x88, $3  }
0x1: {  	(tag) =	ssettag $0x0;
	lr =	simm.s32 $0x1  }
0x2: {  	[smem:$0x3F9E] =	sst lr;
	_ =	strace $0xD0000000  }
0x3: {  	_ = 	snop  }
0x4: {  	_ = 	snop  }
0x5: {  	_ = 	snop  }
0x6: {  	_ = 	snop  }
0x7: {  	_ = 	snop  }
__scs_overlays_trampoline_lowered:
0x8: {  	[smem:$0x3FAD] =	sst s0  }
0x9: {  	[smem:$0x3FAE] =	sst s1  }
0xa: {  	[smem:$0x3FAF] =	sst s2  }
0xb: {  	[smem:$0x3FB0] =	sst s3  }
0xc: {  	[smem:$0x3FB1] =	sst s4  }
0xd: {  	[smem:$0x3FB2] =	sst s5  }
0xe: {  	[smem:$0x3FB3] =	sst s6  }
0xf: {  	[smem:$0x3FB4] =	sst s7  }
0x10: {  	[smem:$0x3FB5] =	sst s8  }
0x11: {  	[smem:$0x3FB6] =	sst s9;
	s0 =	simm.s32 @!p0 $0x0  }
0x12: {  	s1 =	sld [smem:$0x3F9C];
	s0 =	simm.s32 @p0 $0x1  }
0x13: {  	[smem:$0x3FB7] =	sst s0;
	s0 =	simm.s32 @!p1 $0x0  }
0x14: {  	s2 =	sld [smem:$0x3F9B];
	s0 =	simm.s32 @p1 $0x1  }
0x15: {  	[smem:$0x3FB8] =	sst s0;
	s0 =	simm.s32 @!p2 $0x0  }
0x16: {  	s3 =	sld [smem:$0x3FDB];
	s0 =	simm.s32 @p2 $0x1  }
0x17: {  	s4 =	simm.s32 $0x1BF5;
	[smem:$0x3FBA] =	sst s0  }
0x18: {  	s0 =	sld [smem:$0x3F9D];
	_ =	swait.ge [sflag:s4], $0x0  }
0x19: {  	s7 =	sld [smem:$0x3F9E]  }
0x1a: {  	s8 =	sadd.s32 $0xFFFFE003, lr  }
0x1b: {  	s9 =	sadd.s32 $0xFFFFFEF7, lr;
	s5 =	simm.s32 $0xFFFFFFFF;
	p2 =	slt.u32 s8, $0xFFFFF086  }
0x1c: {  	p1 =	slt.u32 s9, $0xF7A;
	s5 =	simm.s32 @!p2 $0x0  }
0x1d: {  	s5 =	simm.s32 @p1 $0x1;
	p0 =	seq.s32 s7, s2  }
0x1e: {  	s7 =	smul.u32 @!p0 $0xF7A, s2;
	p2 =	seq.s32 @!p0 s5, $0x0  }
0x1f: {  	s9 =	smul.u32 $0xF7A, s1;
	s8 =	simm.s32 @!p0 $0x1BF5;
	p2 =	por !p2, p0  }
0x20: {  	[sflag:s8] =	ssyncset.s32 @!p0 $0xFFFFF086;
	s6 =	sadd.s32 @!p0 s3, s7;
	s7 =	simm.s32 @!p0 $0x108  }
0x21: {  	s3 =	sadd.s32 s3, s9;
	s6 =	sadd.s32 @!p0 $0x88, s6;
	s7 =	simm.s32 @p2 $0x1082  }
0x22: {  	[simem:s7], [sflag:s8] =	dma.local @!p0 [hbm:s6], $0xF7A  }
0x23: {  	s9 =	sor.u32 $0xD0000000, s2;
	s6 =	simm.s32 $0x108;
	_ =	swait.ge @!p0 [sflag:s8], $0x0  }
0x24: {  	s3 =	sadd.s32 $0x88, s3;
	s6 =	simm.s32 @!p1 $0x1082;
	[sflag:s4] =	ssyncset.s32 $0xFFFFF086  }
0x25: {  	[simem:s6], [sflag:s4] =	dma.local [hbm:s3], $0xF7A  }
0x26: {  	[smem:$0x3F9E] =	sst s1;
	(tag) =	ssettag s2;
	_ =	strace s9  }
0x27: {  	s1 =	sld [smem:$0x3FAE]  }
0x28: {  	s2 =	sld [smem:$0x3FAF]  }
0x29: {  	s4 =	sld [smem:$0x3FB1]  }
0x2a: {  	p0 =	seq.s32 s5, $0x0;
	s5 =	sld [smem:$0x3FB2]  }
0x2b: {  	s6 =	sld [smem:$0x3FB3]  }
0x2c: {  	s7 =	sld [smem:$0x3FB4]  }
0x2d: {  	s3 =	simm.s32 $0x108;
	s8 =	sld [smem:$0x3FB5]  }
0x2e: {  	s3 =	simm.s32 @!p0 $0x1082;
	s9 =	sld [smem:$0x3FB6]  }
0x2f: {  	lr =	sadd.s32 s0, s3;
	s0 =	sld [smem:$0x3FAD]  }
0x30: {  	s3 =	sld [smem:$0x3FB0]  }
0x31: {  	[smem:$0x3FB9] =	sst s10  }
0x32: {  	s10 =	sld [smem:$0x3FB7];
	_ =	sdelay $0x3  }
0x33: {  	p0 =	seq.s32 s10, $0x1;
	s10 =	sld [smem:$0x3FB9];
	_ =	sdelay $0x3  }
0x34: {  	[smem:$0x3FB9] =	sst s10  }
0x35: {  	s10 =	sld [smem:$0x3FB8];
	_ =	sdelay $0x3  }
0x36: {  	p1 =	seq.s32 s10, $0x1;
	s10 =	sld [smem:$0x3FB9];
	_ =	sdelay $0x3  }
0x37: {  	[smem:$0x3FB9] =	sst s10  }
0x38: {  	s10 =	sld [smem:$0x3FBA]  }
0x39: {  	_ = 	snop;
	(pc) =	sbr.ind lr, $3  }
0x3a: {  	_ = 	snop  }
0x3b: {  	_ = 	snop  }
0x3c: {  	p2 =	seq.s32 s10, $0x1;
	s10 =	sld [smem:$0x3FB9]  }
0x3d: {  	_ =	shalt  }
0x3e: {  	_ =	shalt  }
0x3f: {  	_ =	shalt  }
0x40: {  	_ =	shalt  }
0x41: {  	_ =	shalt  }
0x42: {  	_ =	shalt  }
0x43: {  	_ =	shalt  }
0x44: {  	_ =	shalt  }
0x45: {  	_ =	shalt  }
0x46: {  	_ =	shalt  }
0x47: {  	_ =	shalt  }
0x48: {  	_ =	shalt  }
0x49: {  	_ =	shalt  }
0x4a: {  	_ =	shalt  }
0x4b: {  	_ =	shalt  }
0x4c: {  	_ =	shalt  }
0x4d: {  	_ =	shalt  }
0x4e: {  	_ =	shalt  }
0x4f: {  	_ =	shalt  }
0x50: {  	_ =	shalt  }
0x51: {  	_ =	shalt  }
0x52: {  	_ =	shalt  }
0x53: {  	_ =	shalt  }
0x54: {  	_ =	shalt  }
0x55: {  	_ =	shalt  }
0x56: {  	_ =	shalt  }
0x57: {  	_ =	shalt  }
0x58: {  	_ =	shalt  }
0x59: {  	_ =	shalt  }
0x5a: {  	_ =	shalt  }
0x5b: {  	_ =	shalt  }
0x5c: {  	_ =	shalt  }
0x5d: {  	_ =	shalt  }
0x5e: {  	_ =	shalt  }
0x5f: {  	_ =	shalt  }
0x60: {  	_ =	shalt  }
0x61: {  	_ =	shalt  }
0x62: {  	_ =	shalt  }
0x63: {  	_ =	shalt  }
0x64: {  	_ =	shalt  }
0x65: {  	_ =	shalt  }
0x66: {  	_ =	shalt  }
0x67: {  	_ =	shalt  }
0x68: {  	_ =	shalt  }
0x69: {  	_ =	shalt  }
0x6a: {  	_ =	shalt  }
0x6b: {  	_ =	shalt  }
0x6c: {  	_ =	shalt  }
0x6d: {  	_ =	shalt  }
0x6e: {  	_ =	shalt  }
0x6f: {  	_ =	shalt  }
0x70: {  	_ =	shalt  }
0x71: {  	_ =	shalt  }
0x72: {  	_ =	shalt  }
0x73: {  	_ =	shalt  }
0x74: {  	_ =	shalt  }
0x75: {  	_ =	shalt  }
0x76: {  	_ =	shalt  }
0x77: {  	_ =	shalt  }
0x78: {  	_ =	shalt  }
0x79: {  	_ =	shalt  }
0x7a: {  	_ =	shalt  }
0x7b: {  	_ =	shalt  }
0x7c: {  	_ =	shalt  }
0x7d: {  	_ =	shalt  }
0x7e: {  	_ =	shalt  }
0x7f: {  	_ =	shalt  }
0x80: {  	_ =	shalt  }
0x81: {  	_ =	shalt  }
0x82: {  	_ =	shalt  }
0x83: {  	_ =	shalt  }
0x84: {  	_ =	shalt  }
0x85: {  	_ =	shalt  }
0x86: {  	_ =	shalt  }
0x87: {  	_ =	shalt  }
.Lfunc_end0:
.L_simem_size_0:
called_computation.1_lowered:
.L_overlay_start_0:
0x88: {  	s2 =	sld [smem:$0x3FD9]  }
0x89: {  	s3 =	sld [smem:$0x3FFE];
	_ =	sdelay $0x1  }
0x8a: {  	s1 =	srdreg.scid  }
0x8b: {  	s0 =	sand.u32 $0x1, s1  }
0x8c: {  	s17 =	sshll.u32 s0, $0xA;
	s2 =	sadd.s32 s3, s2  }
0x8d: {  	s2 =	sadd.s32 s2, s17  }
0x8e: {  	[smem:$0x3FC5] =	sst s2  }
0x8f: {  	_ = 	snop  }
0x90: {  	s2 =	sld [smem:$0x3FD0];
	(tm) =	ssettm $0x1  }
0x91: {  	s18 =	sld [smem:$0x3FFB];
	_ =	sdelay $0x3  }
0x92: {  	_ =	strace s18  }
0x93: {  	s3 =	sld [smem:$0x3FFC];
	_ =	sdelay $0x3  }
0x94: {  	_ =	strace s3  }
0x95: {  	s3 =	sld [smem:$0x3FFD];
	_ =	sdelay $0x3  }
0x96: {  	_ =	strace s3  }
0x97: {  	_ =	strace $0x8FFFFFFF  }
0x98: {  	s19 =	sld [smem:$0x3FDB];
	_ =	sdelay $0x1  }
0x99: {  	s4 =	simm.s32 $_scs_section_size  }
0x9a: {  	s5 =	simm.s32 $_size__tile_overlayer_lowered;
	s6 =	simm.s32 $_tile_overlayer_lowered  }
0x9b: {  	s22 =	simm.s32 $0x1BFF;
	s21 =	sshll.u32 s6, $0x1;
	s3 =	sadd.s32 s4, s19  }
0x9c: {  	s7 =	simm.s32 $0x0;
	s20 =	sshll.u32 s5, $0x1;
	s5 =	sadd.s32 s21, s3  }
0x9d: {  	[timem:s7], [sflag:s22] =	dma.local [hbm:s5], s20  }
0x9e: {  	_ =	swait.ge [sflag:s22], s20  }
0x9f: {  	s4 =	ssub.s32 $0x0, s20;
	[sflag:s22] =	ssyncset.done $0x0  }
0xa0: {  	[sflag:s22] =	ssyncadd.s32 s4;
	_ =	sdelay $0x1  }
0xa1: {  	s23 =	simm.s32 $0x1B8B  }
0xa2: {  	_ =	swait.ge [sflag:s23], $0x1  }
0xa3: {  	[sflag:s23] =	ssyncset.done $0x0  }
0xa4: {  	s25 =	simm.s32 $0x1B8E;
	s24 =	sld [smem:$0x3FFE];
	[sflag:s23] =	ssyncadd.s32 $0xFFFFFFFF  }
0xa5: {  	s26 =	simm.s32 $execute0_lowered;
	[smem:$0x3FD2] =	sst s25  }
0xa6: {  	s5 =	sshll.u32 s26, $0x1;
	_ =	strace $0x80000046;
	[dreg:$0x1] =	wrdreg $0xFFFFFFFF  }
0xa7: {  	s28 =	simm.s32 $_size_execute0_lowered;
	s3 =	sadd.s32 s3, s5;
	[dreg:$0x0] =	wrdreg $0x0  }
0xa8: {  	s5 =	sshll.u32 s28, $0x1;
	[dreg:$0x2] =	wrdreg s3  }
0xa9: {  	[dreg:$0x3] =	wrdreg s5  }
0xaa: {  	[dreg:$0x4] =	wrdreg $0xC0  }
0xab: {  	_ =	task [dreg:s7], $0x5FFFF  }
0xac: {  	[dreg:$0x1] =	wrdreg $0xFFFFFFFF  }
0xad: {  	[dreg:$0x0] =	wrdreg $0x60  }
0xae: {  	[dreg:$0x2] =	wrdreg s24  }
0xaf: {  	[dreg:$0x3] =	wrdreg s2  }
0xb0: {  	[dreg:$0x4] =	wrdreg $0x9  }
0xb1: {  	_ =	task.clear_ibuf [dreg:s7], $0x5FFFF;
	_ =	strace $0x90000046  }
0xb2: {  	s29 =	simm.s32 $0x9;
	_ =	strace $0x80000048  }
0xb3: {  	_ =	swait.ge [sflag:s29], $0x1  }
0xb4: {  	[sflag:s29] =	ssyncadd.s32 $0xFFFFFFFF  }
0xb5: {  	_ =	strace $0x90000048  }
0xb6: {  	_ =	sfence  }
0xb7: {  	s30 =	sld [smem:$0x0];
	_ =	sdelay $0x2  }
0xb8: {  	s31 =	sshll.u32 s1, $0xD;
	s1 =	sshrl.u32 s1, $0x2  }
0xb9: {  	s3 =	sand.u32 $0x4000, s31;
	s1 =	sadd.s32 s1, s30  }
0xba: {  	s0 =	sor.u32 s3, s0;
	s1 =	sshll.u32 s1, $0x11  }
0xbb: {  	s0 =	sor.u32 s1, s0  }
0xbc: {  	s0 =	sadd.s32 $0x8F2B, s0  }
0xbd: {  	[sflag:s0] =	ssyncadd.remote.s32 $0x1  }
0xbe: {  	_ =	sfence.sel $0xFFFF  }
0xbf: {  	[dreg:$0x0] =	wrdreg $0xFFFFFFFF;
	(pc) =	sbr.abs _section_cstart, $3  }
0xc0: {  	[dreg:$0x1] =	wrdreg $0xFFFFFFFF  }
0xc1: {  	_ =	task.clear_ibuf [dreg:s7], $0x2FFFF;
	_ =	strace $0x9FFFFFFF  }
0xc2: {  	(tm) =	ssettm $0x7FFFFFFF  }
0xc3: {  	_ =	shalt  }
tec
execute0_lowered:
.L_overlay_start_1:
0x0: {  	(tag) =	ssettag $0x1  }
0x1: {  	s0 =	rddreg [dreg:$0x0];
	s2 =	simm.s32 $0x0  }
0x2: {  	s1 =	srdreg.scid;
	s7 =	stileid.u32;
	s9 =	simm.s32 $0xC000  }
0x3: {  	s10 =	simm.s32 $0x2;
	s11 =	simm.s32 $0x80;
	s13 =	simm.s32 $0x2800  }
0x4: {  	s8 =	simm.s32 $0x1580;
	s12 =	simm.s32 $0x1600;
	s14 =	simm.s32 $0x8800  }
0x5: {  	s15 =	simm.s32 $0x1680;
	s16 =	simm.s32 $0x9000;
	s17 =	simm.s32 $0x1700  }
0x6: {  	s18 =	simm.s32 $0x9800;
	s19 =	simm.s32 $0x1780;
	s20 =	simm.s32 $0xA000  }
0x7: {  	s21 =	simm.s32 $0x1;
	s22 =	simm.s32 $0xA800;
	s23 =	simm.s32 $0x0  }
0x8: {  	[smem:$0x7FF] =	sst s2;
	s4 =	sadd.s32 $0xE8000, s0;
	s1 =	sand.u32 $0x1, s1  }
0x9: {  	v4 =	vlaneseq.u32;
	s5 =	sadd.s32 $0xE00, s0;
	s7 =	sshll.u32 s7, $0x12;
	s3 =	ssub.s32 $0x2, s1  }
0xa: {  	v2 =	vimm.s32 $0x52741630;
	s0 =	sadd.s32 $0xE72E00, s0;
	v1 =	vand.u32 $0x3, v4;
	_ =	strace $0x80000047;
	s6 =	sshrl.u32 s3, $0x1  }
0xb: {  	v0 =	vmul.u32 $0x2, v4;
	v5 =	vunpack.c.l.s4.s8 v2;
	s1 =	sshll.u32 s1, $0x11;
	[dreg:$0x3] =	wrdreg s0;
	v1 =	vmul.u32 $0x2, v1;
	s31 =	ssub.s32 s3, s6  }
0xc: {  	v3 =	vmul.u32 $0x10, v4;
	v4 =	vmul.u32 $0x3, v4;
	s7 =	sor.u32 s1, s7;
	s1 =	simm.s32 $0x8000;
	s0 =	smax.u32 s31, $0x1  }
0xd: {  	v2 =	vor.u32 $0x1, v0;
	v5 =	vunpack.c.0.s8.s32 v5;
	s3 =	simm.s32 $0x1500;
	s6 =	simm.s32 $0x7800;
	v1 =	vor.u32 $0xFFFFFFF8, v1;
	[dreg:$0x4] =	wrdreg s0  }
.LBB2_1:
0xe: {  	[dreg:$0x5] =	wrdreg s23  }
0xf: {  	s0 =	rddreg [dreg:$0x3]  }
0x10: {  	[tilespmem:s9], [sflag:$0x2] =	stream.linear.gather [hbm4b:s0+s2], $0x5E00, $0x38;
	[tilespmem:$0x11E00] =	vst v63  }
0x11: {  	_ =	swait.ge [sflag:s10], $0x5E00  }
0x12: {  	[sflag:s10] =	ssyncset.done $0x0  }
0x13: {  	s23 =	simm.s32 $0x0;
	[sflag:s10] =	ssyncadd.s32 $0xFFFFA200  }
.LBB2_2:
0x14: {  	s24 =	sshll.u32 s23, $0xB  }
0x15: {  	s25 =	simm.s32 $0x0;
	s24 =	sadd.s32 s7, s24  }
0x16: {  	v6 =	vor.u32 s25, v0;
	s26 =	sshrl.u32 s24, $0x2  }
0x17: {  	v6 =	vand.u32 v1, v6;
	s26 =	sadd.s32 s4, s26  }
0x18: {  	v7 =	vor.u32 s25, v2;
	[tilespmem:s25], [sflag:$0x2] =	stream.linear.gather [hbm4b:s26+s25], $0x1000, $0x38;
	[tilespmem:$0x11E00] =	vst v63  }
0x19: {  	_ =	swait.ge [sflag:s10], $0x1000  }
0x1a: {  	[sflag:s10] =	ssyncset.done $0x0  }
0x1b: {  	[sflag:s10] =	ssyncadd.s32 $0xFFFFF000  }
0x1c: {  	v6 =	vld.idx.msk [tilespmem:v6+s2+$0x0], $0xffff  }
0x1d: {  	v7 =	vld.idx.msk [tilespmem:v7+s2+$0x0], $0xffff;
	_ =	sdelay $0x3  }
0x1e: {  	v6 =	vmax.f32 v6, $0.0e+00  }
0x1f: {  	v7 =	vmax.f32 v7, $0.0e+00;
	v6 =	vmin.f32 v6, $1.000000000e+00  }
0x20: {  	v7 =	vmin.f32 v7, $1.000000000e+00;
	v6 =	vmul.f32 $6.870000000e+02, v6  }
0x21: {  	v7 =	vmul.f32 $6.870000000e+02, v7  }
0x22: {  	v8 =	vtrunc.f32 v6  }
0x23: {  	v9 =	vtrunc.f32 v7;
	v8 =	vcvt.f32.s32 v8  }
0x24: {  	v9 =	vcvt.f32.s32 v9  }
0x25: {  	s31 =	simm.s32 $0x20;
	vm0 =	vlt.s32 v8, $0x2AE  }
0x26: {  	v10 =	vor.u32 s31, v0;
	vm13 =	vlt.s32 v9, $0x2AE;
	v8 =	vnsel vm0, $0x2AE, v8  }
0x27: {  	v9 =	vnsel vm13, $0x2AE, v9;
	v11 =	vmul.u32 $0x2B0, v8;
	v8 =	vcvt.s32.f32 v8  }
0x28: {  	v10 =	vand.u32 v1, v10;
	v12 =	vcvt.s32.f32 v9  }
0x29: {  	v13 =	vor.u32 s31, v2;
	s25 =	simm.s32 $0x1000;
	v9 =	vadd.s32 v9, v11;
	v6 =	vsub.f32 v6, v8  }
0x2a: {  	s26 =	simm.s32 $0x1800;
	v7 =	vsub.f32 v7, v12;
	[tilespmem:s25+$0x0] =	vst v9  }
0x2b: {  	s28 =	simm.s32 $0x2000;
	[tilespmem:s26+$0x0] =	vst v6  }
0x2c: {  	[tilespmem:s28+$0x0] =	vst v7  }
0x2d: {  	v6 =	vld.idx.msk [tilespmem:v10+s2+$0x0], $0xffff  }
0x2e: {  	v7 =	vld.idx.msk [tilespmem:v13+s2+$0x0], $0xffff;
	_ =	sdelay $0x3  }
0x2f: {  	v6 =	vmax.f32 v6, $0.0e+00  }
0x30: {  	v8 =	vmax.f32 v7, $0.0e+00;
	v6 =	vmin.f32 v6, $1.000000000e+00  }
0x31: {  	v7 =	vmul.f32 $6.870000000e+02, v6;
	v6 =	vmin.f32 v8, $1.000000000e+00  }
0x32: {  	v6 =	vmul.f32 $6.870000000e+02, v6  }
0x33: {  	v8 =	vtrunc.f32 v7  }
0x34: {  	v8 =	vcvt.f32.s32 v8;
	v9 =	vtrunc.f32 v6  }
0x35: {  	v9 =	vcvt.f32.s32 v9  }
0x36: {  	s29 =	simm.s32 $0x40;
	vm14 =	vlt.s32 v8, $0x2AE  }
0x37: {  	v10 =	vor.u32 s29, v0;
	v8 =	vnsel vm14, $0x2AE, v8;
	vm15 =	vlt.s32 v9, $0x2AE  }
0x38: {  	v9 =	vnsel vm15, $0x2AE, v9;
	v11 =	vmul.u32 $0x2B0, v8;
	v12 =	vcvt.s32.f32 v8  }
0x39: {  	s30 =	simm.s32 $0x60;
	v8 =	vand.u32 v1, v10;
	v10 =	vcvt.s32.f32 v9  }
.LBB2_3:
0x3a: {  	p0 =	sne.s32 s30, $0xFE0;
	v13 =	vor.u32 s29, v2;
	v9 =	vadd.s32 v9, v11;
	v7 =	vsub.f32 v7, v12;
	s25 =	sadd.s32 $0x10, s25;
	s29 =	smov.u32 s30  }
0x3b: {  	s26 =	sadd.s32 $0x10, s26;
	[tilespmem:s25+$0x0] =	vst v9;
	v6 =	vsub.f32 v6, v10  }
0x3c: {  	s28 =	sadd.s32 $0x10, s28;
	[tilespmem:s26+$0x0] =	vst v7  }
0x3d: {  	[tilespmem:s28+$0x0] =	vst v6  }
0x3e: {  	v6 =	vld.idx.msk [tilespmem:v8+s2+$0x0], $0xffff  }
0x3f: {  	v7 =	vld.idx.msk [tilespmem:v13+s2+$0x0], $0xffff;
	_ =	sdelay $0x4  }
0x40: {  	v6 =	vmax.f32 v6, $0.0e+00  }
0x41: {  	v6 =	vmin.f32 v6, $1.000000000e+00;
	v8 =	vmax.f32 v7, $0.0e+00  }
0x42: {  	v7 =	vmul.f32 $6.870000000e+02, v6;
	v6 =	vmin.f32 v8, $1.000000000e+00  }
0x43: {  	v6 =	vmul.f32 $6.870000000e+02, v6  }
0x44: {  	v8 =	vtrunc.f32 v7  }
0x45: {  	v8 =	vcvt.f32.s32 v8;
	v9 =	vtrunc.f32 v6  }
.Ltmp0:
0x46: {  	v9 =	vcvt.f32.s32 v9;
	(pc) =	sbr.rel @p0 .LBB2_3-.Ltmp0, $4  }
0x47: {  	vm0 =	vlt.s32 v8, $0x2AE  }
0x48: {  	v10 =	vor.u32 s30, v0;
	v8 =	vnsel vm0, $0x2AE, v8;
	vm0 =	vlt.s32 v9, $0x2AE  }
0x49: {  	v9 =	vnsel vm0, $0x2AE, v9;
	v11 =	vmul.u32 $0x2B0, v8;
	v12 =	vcvt.s32.f32 v8  }
0x4a: {  	s30 =	sadd.s32 $0x20, s30;
	v8 =	vand.u32 v1, v10;
	v10 =	vcvt.s32.f32 v9  }
0x4b: {  	v13 =	vor.u32 s29, v2;
	v9 =	vadd.s32 v9, v11;
	v7 =	vsub.f32 v7, v12;
	s25 =	sadd.s32 $0x10, s25  }
0x4c: {  	s26 =	sadd.s32 $0x10, s26;
	[tilespmem:s25+$0x0] =	vst v9;
	v6 =	vsub.f32 v6, v10  }
0x4d: {  	s28 =	sadd.s32 $0x10, s28;
	[tilespmem:s26+$0x0] =	vst v7  }
0x4e: {  	[tilespmem:s28+$0x0] =	vst v6  }
0x4f: {  	v6 =	vld.idx.msk [tilespmem:v8+s2+$0x0], $0xffff  }
0x50: {  	v7 =	vld.idx.msk [tilespmem:v13+s2+$0x0], $0xffff;
	_ =	sdelay $0x3  }
0x51: {  	v6 =	vmax.f32 v6, $0.0e+00  }
0x52: {  	v6 =	vmin.f32 v6, $1.000000000e+00;
	v7 =	vmax.f32 v7, $0.0e+00  }
0x53: {  	v6 =	vmul.f32 $6.870000000e+02, v6;
	v7 =	vmin.f32 v7, $1.000000000e+00  }
0x54: {  	v7 =	vmul.f32 $6.870000000e+02, v7  }
0x55: {  	v8 =	vtrunc.f32 v6  }
0x56: {  	v8 =	vcvt.f32.s32 v8;
	v9 =	vtrunc.f32 v7  }
0x57: {  	v9 =	vcvt.f32.s32 v9  }
0x58: {  	vm0 =	vlt.s32 v8, $0x2AE  }
0x59: {  	v8 =	vnsel vm0, $0x2AE, v8;
	vm13 =	vlt.s32 v9, $0x2AE  }
0x5a: {  	v9 =	vnsel vm13, $0x2AE, v9;
	v10 =	vmul.u32 $0x2B0, v8;
	v8 =	vcvt.s32.f32 v8  }
0x5b: {  	v11 =	vcvt.s32.f32 v9  }
0x5c: {  	s25 =	sadd.s32 $0x10, s25;
	v9 =	vadd.s32 v9, v10;
	v6 =	vsub.f32 v6, v8  }
0x5d: {  	s31 =	sadd.s32 $0x10, s26;
	[tilespmem:s25+$0x0] =	vst v9;
	v7 =	vsub.f32 v7, v11  }
0x5e: {  	s0 =	sadd.s32 $0x10, s28;
	[tilespmem:s31+$0x0] =	vst v6  }
0x5f: {  	[tilespmem:s0+$0x0] =	vst v7;
	s0 =	simm.s32 $0x1000  }
0x60: {  	[tilespmem:s13], [sflag:$0x1] =	stream.indirect.gather [hbm4b:s5+s11], $0x10, s0, s11, $0xb8;
	[tilespmem:$0x11E00] =	vst v63  }
0x61: {  	s26 =	simm.s32 $0x1080;
	s31 =	simm.s32 $0x3000  }
0x62: {  	[tilespmem:s31], [sflag:$0x1] =	stream.indirect.gather [hbm4b:s5+s11], $0x10, s26, s11, $0xb8;
	[tilespmem:$0x11E00] =	vst v63  }
0x63: {  	s26 =	simm.s32 $0x1100;
	s31 =	simm.s32 $0x3800  }
0x64: {  	[tilespmem:s31], [sflag:$0x1] =	stream.indirect.gather [hbm4b:s5+s11], $0x10, s26, s11, $0xb8;
	[tilespmem:$0x11E00] =	vst v63  }
0x65: {  	s26 =	simm.s32 $0x1180;
	s31 =	simm.s32 $0x4000  }
0x66: {  	[tilespmem:s31], [sflag:$0x1] =	stream.indirect.gather [hbm4b:s5+s11], $0x10, s26, s11, $0xb8;
	[tilespmem:$0x11E00] =	vst v63  }
0x67: {  	s26 =	simm.s32 $0x1200;
	s31 =	simm.s32 $0x4800  }
0x68: {  	[tilespmem:s31], [sflag:$0x1] =	stream.indirect.gather [hbm4b:s5+s11], $0x10, s26, s11, $0xb8;
	[tilespmem:$0x11E00] =	vst v63  }
0x69: {  	s26 =	simm.s32 $0x1280;
	s31 =	simm.s32 $0x5000  }
0x6a: {  	[tilespmem:s31], [sflag:$0x1] =	stream.indirect.gather [hbm4b:s5+s11], $0x10, s26, s11, $0xb8;
	[tilespmem:$0x11E00] =	vst v63  }
0x6b: {  	s26 =	simm.s32 $0x1300;
	s31 =	simm.s32 $0x5800  }
0x6c: {  	[tilespmem:s31], [sflag:$0x1] =	stream.indirect.gather [hbm4b:s5+s11], $0x10, s26, s11, $0xb8;
	[tilespmem:$0x11E00] =	vst v63  }
0x6d: {  	s26 =	simm.s32 $0x1380;
	s31 =	simm.s32 $0x6000  }
0x6e: {  	[tilespmem:s31], [sflag:$0x1] =	stream.indirect.gather [hbm4b:s5+s11], $0x10, s26, s11, $0xb8;
	[tilespmem:$0x11E00] =	vst v63  }
0x6f: {  	s26 =	simm.s32 $0x1400;
	s31 =	simm.s32 $0x6800  }
0x70: {  	[tilespmem:s31], [sflag:$0x1] =	stream.indirect.gather [hbm4b:s5+s11], $0x10, s26, s11, $0xb8;
	[tilespmem:$0x11E00] =	vst v63  }
0x71: {  	s26 =	simm.s32 $0x1480;
	s31 =	simm.s32 $0x7000  }
0x72: {  	[tilespmem:s31], [sflag:$0x1] =	stream.indirect.gather [hbm4b:s5+s11], $0x10, s26, s11, $0xb8;
	[tilespmem:$0x11E00] =	vst v63  }
0x73: {  	_ = 	snop  }
0x74: {  	[tilespmem:s6], [sflag:$0x1] =	stream.indirect.gather [hbm4b:s5+s11], $0x10, s3, s11, $0xb8;
	[tilespmem:$0x11E00] =	vst v63  }
0x75: {  	_ = 	snop  }
0x76: {  	[tilespmem:s1], [sflag:$0x1] =	stream.indirect.gather [hbm4b:s5+s11], $0x10, s8, s11, $0xb8;
	[tilespmem:$0x11E00] =	vst v63  }
0x77: {  	_ = 	snop  }
0x78: {  	[tilespmem:s14], [sflag:$0x1] =	stream.indirect.gather [hbm4b:s5+s11], $0x10, s12, s11, $0xb8;
	[tilespmem:$0x11E00] =	vst v63  }
0x79: {  	_ = 	snop  }
0x7a: {  	[tilespmem:s16], [sflag:$0x1] =	stream.indirect.gather [hbm4b:s5+s11], $0x10, s15, s11, $0xb8;
	[tilespmem:$0x11E00] =	vst v63  }
0x7b: {  	_ = 	snop  }
0x7c: {  	[tilespmem:s18], [sflag:$0x1] =	stream.indirect.gather [hbm4b:s5+s11], $0x10, s17, s11, $0xb8;
	[tilespmem:$0x11E00] =	vst v63  }
0x7d: {  	_ = 	snop  }
0x7e: {  	[tilespmem:s20], [sflag:$0x1] =	stream.indirect.gather [hbm4b:s5+s11], $0x10, s19, s11, $0xb8;
	[tilespmem:$0x11E00] =	vst v63  }
0x7f: {  	_ =	swait.ge [sflag:s21], $0x800  }
0x80: {  	[sflag:s21] =	ssyncset.done $0x0  }
0x81: {  	[sflag:s21] =	ssyncadd.s32 $0xFFFFF800  }
0x82: {  	_ =	swait.ge [sflag:s21], $0x800  }
0x83: {  	[sflag:s21] =	ssyncset.done $0x0  }
0x84: {  	[sflag:s21] =	ssyncadd.s32 $0xFFFFF800  }
0x85: {  	_ =	swait.ge [sflag:s21], $0x800  }
0x86: {  	[sflag:s21] =	ssyncset.done $0x0  }
0x87: {  	[sflag:s21] =	ssyncadd.s32 $0xFFFFF800  }
0x88: {  	_ =	swait.ge [sflag:s21], $0x800  }
0x89: {  	[sflag:s21] =	ssyncset.done $0x0  }
0x8a: {  	[sflag:s21] =	ssyncadd.s32 $0xFFFFF800  }
0x8b: {  	_ =	swait.ge [sflag:s21], $0x800  }
0x8c: {  	[sflag:s21] =	ssyncset.done $0x0  }
0x8d: {  	[sflag:s21] =	ssyncadd.s32 $0xFFFFF800  }
0x8e: {  	_ =	swait.ge [sflag:s21], $0x800  }
0x8f: {  	[sflag:s21] =	ssyncset.done $0x0  }
0x90: {  	[sflag:s21] =	ssyncadd.s32 $0xFFFFF800  }
0x91: {  	_ =	swait.ge [sflag:s21], $0x800  }
0x92: {  	[sflag:s21] =	ssyncset.done $0x0  }
0x93: {  	[sflag:s21] =	ssyncadd.s32 $0xFFFFF800  }
0x94: {  	_ =	swait.ge [sflag:s21], $0x800  }
0x95: {  	[sflag:s21] =	ssyncset.done $0x0  }
0x96: {  	[sflag:s21] =	ssyncadd.s32 $0xFFFFF800  }
0x97: {  	_ =	swait.ge [sflag:s21], $0x800  }
0x98: {  	[sflag:s21] =	ssyncset.done $0x0  }
0x99: {  	[sflag:s21] =	ssyncadd.s32 $0xFFFFF800  }
0x9a: {  	_ =	swait.ge [sflag:s21], $0x800  }
0x9b: {  	[sflag:s21] =	ssyncset.done $0x0  }
0x9c: {  	[sflag:s21] =	ssyncadd.s32 $0xFFFFF800  }
0x9d: {  	_ =	swait.ge [sflag:s21], $0x800  }
0x9e: {  	[sflag:s21] =	ssyncset.done $0x0  }
0x9f: {  	[sflag:s21] =	ssyncadd.s32 $0xFFFFF800  }
0xa0: {  	_ =	swait.ge [sflag:s21], $0x800  }
0xa1: {  	[sflag:s21] =	ssyncset.done $0x0  }
0xa2: {  	[sflag:s21] =	ssyncadd.s32 $0xFFFFF800  }
0xa3: {  	_ =	swait.ge [sflag:s21], $0x800  }
0xa4: {  	[sflag:s21] =	ssyncset.done $0x0  }
0xa5: {  	[sflag:s21] =	ssyncadd.s32 $0xFFFFF800  }
0xa6: {  	_ =	swait.ge [sflag:s21], $0x800  }
0xa7: {  	[sflag:s21] =	ssyncset.done $0x0  }
0xa8: {  	s25 =	simm.s32 $0x0;
	[sflag:s21] =	ssyncadd.s32 $0xFFFFF800  }
0xa9: {  	v6 =	vmov s25;
	_ =	swait.ge [sflag:s21], $0x800  }
0xaa: {  	v6 =	vshll.u32 v6, $0x4;
	[sflag:s21] =	ssyncset.done $0x0  }
0xab: {  	v6 =	vor.u32 v3, v6;
	[sflag:s21] =	ssyncadd.s32 $0xFFFFF800  }
0xac: {  	v7 =	vor.u32 $0xB, v6;
	_ =	swait.ge [sflag:s21], $0x800  }
0xad: {  	v8 =	vor.u32 $0x1, v6;
	[sflag:s21] =	ssyncset.done $0x0  }
0xae: {  	v9 =	vor.u32 $0x2, v6;
	s26 =	simm.s32 $0x2000;
	[sflag:s21] =	ssyncadd.s32 $0xFFFFF800  }
0xaf: {  	v11 =	vor.u32 $0xA, v6;
	v10 =	vld [tilespmem:s26+$0x0]  }
0xb0: {  	v12 =	vor.u32 $0x8, v6;
	v13 =	vld.idx.msk [tilespmem:v6+s13+$0x0], $0xffff  }
0xb1: {  	v14 =	vor.u32 $0x3, v6;
	v7 =	vld.idx.msk [tilespmem:v7+s13+$0x0], $0xffff  }
0xb2: {  	v15 =	vor.u32 $0x9, v6;
	v8 =	vld.idx.msk [tilespmem:v8+s13+$0x0], $0xffff  }
0xb3: {  	v16 =	vor.u32 $0x5, v6;
	v9 =	vld.idx.msk [tilespmem:v9+s13+$0x0], $0xffff  }
0xb4: {  	v17 =	vor.u32 $0x4, v6;
	v11 =	vld.idx.msk [tilespmem:v11+s13+$0x0], $0xffff  }
0xb5: {  	v18 =	vor.u32 $0x7, v6;
	v12 =	vld.idx.msk [tilespmem:v12+s13+$0x0], $0xffff  }
0xb6: {  	v6 =	vor.u32 $0x6, v6;
	v14 =	vld.idx.msk [tilespmem:v14+s13+$0x0], $0xffff  }
0xb7: {  	v15 =	vld.idx.msk [tilespmem:v15+s13+$0x0], $0xffff  }
0xb8: {  	v16 =	vld.idx.msk [tilespmem:v16+s13+$0x0], $0xffff  }
0xb9: {  	v17 =	vld.idx.msk [tilespmem:v17+s13+$0x0], $0xffff  }
0xba: {  	v18 =	vld.idx.msk [tilespmem:v18+s13+$0x0], $0xffff  }
0xbb: {  	v6 =	vld.idx.msk [tilespmem:v6+s13+$0x0], $0xffff;
	_ =	sdelay $0x1  }
0xbc: {  	v7 =	vsub.f32 v7, v12  }
0xbd: {  	v16 =	vsub.f32 v16, v9  }
0xbe: {  	v14 =	vsub.f32 v14, v13;
	v11 =	vsub.f32 v11, v18;
	v7 =	vmul.f32 v7, v10  }
0xbf: {  	v17 =	vsub.f32 v17, v8;
	v16 =	vmul.f32 v16, v10;
	v15 =	vsub.f32 v15, v6  }
0xc0: {  	s28 =	simm.s32 $0x1800;
	v14 =	vmul.f32 v14, v10;
	v11 =	vmul.f32 v11, v10;
	v7 =	vadd.f32 v7, v12  }
0xc1: {  	v12 =	vmul.f32 v17, v10;
	v17 =	vld [tilespmem:s28+$0x0];
	v9 =	vadd.f32 v16, v9;
	v10 =	vmul.f32 v15, v10  }
0xc2: {  	v13 =	vadd.f32 v14, v13;
	v11 =	vadd.f32 v11, v18  }
0xc3: {  	v8 =	vadd.f32 v12, v8;
	v6 =	vadd.f32 v10, v6  }
0xc4: {  	v7 =	vsub.f32 v7, v9  }
0xc5: {  	v10 =	vsub.f32 v11, v8;
	v6 =	vsub.f32 v6, v13  }
0xc6: {  	v7 =	vmul.f32 v7, v17  }
0xc7: {  	v10 =	vmul.f32 v10, v17;
	v6 =	vmul.f32 v6, v17  }
0xc8: {  	v7 =	vadd.f32 v7, v9  }
0xc9: {  	v8 =	vadd.f32 v10, v8;
	v6 =	vadd.f32 v6, v13  }
0xca: {  	v7 =	vmul.f32 $1.900000000e+01, v7  }
0xcb: {  	v8 =	vmul.f32 $1.900000000e+01, v8;
	v9 =	vmul.f32 $1.900000000e+01, v6  }
0xcc: {  	v6 =	vtrunc.f32 v7  }
0xcd: {  	v10 =	vtrunc.f32 v8;
	v11 =	vtrunc.f32 v9  }
0xce: {  	v10 =	vcvt.f32.s32 v10;
	v11 =	vcvt.f32.s32 v11  }
0xcf: {  	v6 =	vcvt.f32.s32 v6  }
0xd0: {  	vm14 =	vlt.s32 v10, $0x12;
	vm1 =	vlt.s32 v11, $0x12  }
0xd1: {  	vm15 =	vlt.s32 v6, $0x12;
	v10 =	vnsel vm14, $0x12, v10;
	v11 =	vnsel vm1, $0x12, v11  }
0xd2: {  	v6 =	vnsel vm15, $0x12, v6;
	v13 =	vmul.u32 $0x3C, v10;
	v12 =	vmul.u32 $0x4B0, v11  }
0xd3: {  	v14 =	vmul.u32 $0x3, v6  }
0xd4: {  	v12 =	vadd.s32 v12, v13  }
0xd5: {  	v17 =	vadd.s32 v14, v12  }
0xd6: {  	v12 =	vadd.s32 $0x3C, v17  }
0xd7: {  	v13 =	vadd.s32 $0x4B0, v17  }
0xd8: {  	v14 =	vadd.s32 $0x3F, v17  }
0xd9: {  	v15 =	vadd.s32 $0x3, v17  }
0xda: {  	v16 =	vadd.s32 $0x4EC, v17;
	v18 =	vld.idx.msk [tilespmem:v17+s9+$0x0], $0xffff  }
0xdb: {  	v19 =	vadd.s32 $0x4EF, v17;
	v12 =	vld.idx.msk [tilespmem:v12+s9+$0x0], $0xffff  }
0xdc: {  	v20 =	vadd.s32 $0x4B3, v17;
	v13 =	vld.idx.msk [tilespmem:v13+s9+$0x0], $0xffff  }
0xdd: {  	v14 =	vld.idx.msk [tilespmem:v14+s9+$0x0], $0xffff  }
0xde: {  	v15 =	vld.idx.msk [tilespmem:v15+s9+$0x0], $0xffff  }
0xdf: {  	v16 =	vld.idx.msk [tilespmem:v16+s9+$0x0], $0xffff  }
0xe0: {  	v19 =	vld.idx.msk [tilespmem:v19+s9+$0x0], $0xffff  }
0xe1: {  	v20 =	vld.idx.msk [tilespmem:v20+s9+$0x0], $0xffff  }
0xe2: {  	v6 =	vcvt.s32.f32 v6;
	_ =	sdelay $0x1  }
0xe3: {  	v6 =	vsub.f32 v7, v6  }
0xe4: {  	v7 =	vsub.f32 v14, v12;
	v14 =	vsub.f32 v15, v18  }
0xe5: {  	v15 =	vsub.f32 v19, v16;
	v19 =	vsub.f32 v20, v13  }
0xe6: {  	v7 =	vmul.f32 v6, v7;
	v14 =	vmul.f32 v6, v14  }
0xe7: {  	v15 =	vmul.f32 v6, v15;
	v19 =	vmul.f32 v6, v19  }
0xe8: {  	v10 =	vcvt.s32.f32 v10;
	v12 =	vadd.f32 v7, v12;
	v14 =	vadd.f32 v14, v18  }
0xe9: {  	v15 =	vadd.f32 v15, v16;
	v13 =	vadd.f32 v19, v13  }
0xea: {  	v7 =	vsub.f32 v8, v10  }
0xeb: {  	v8 =	vsub.f32 v12, v14;
	v10 =	vsub.f32 v15, v13;
	_ =	sdelay $0x1  }
0xec: {  	v8 =	vmul.f32 v8, v7;
	v10 =	vmul.f32 v10, v7;
	_ =	sdelay $0x1  }
0xed: {  	v11 =	vcvt.s32.f32 v11;
	v12 =	vadd.f32 v8, v14;
	v10 =	vadd.f32 v10, v13  }
0xee: {  	v13 =	vadd.s32 s25, v4  }
0xef: {  	v8 =	vsub.f32 v9, v11;
	v9 =	vsub.f32 v10, v12;
	v10 =	vand.u32 $0x3FF8, v13  }
0xf0: {  	v10 =	vor.u32 v5, v10  }
0xf1: {  	v11 =	vadd.s32 $0x4F0, v17;
	v9 =	vmul.f32 v9, v8  }
0xf2: {  	v13 =	vadd.s32 $0x4, v17  }
0xf3: {  	v14 =	vadd.s32 $0x4B4, v17;
	v9 =	vadd.f32 v9, v12  }
0xf4: {  	v15 =	vadd.s32 $0x3D, v17  }
0xf5: {  	v16 =	vadd.s32 $0x1, v17;
	[tilespmem:v10+s22+$0x0] =	vst.idx.msk $0xffff, v9  }
0xf6: {  	v12 =	vadd.s32 $0x4ED, v17;
	v11 =	vld.idx.msk [tilespmem:v11+s9+$0x0], $0xffff  }
0xf7: {  	v9 =	vadd.s32 $0x4B1, v17;
	v13 =	vld.idx.msk [tilespmem:v13+s9+$0x0], $0xffff  }
0xf8: {  	v10 =	vadd.s32 $0x40, v17;
	v14 =	vld.idx.msk [tilespmem:v14+s9+$0x0], $0xffff  }
0xf9: {  	v15 =	vld.idx.msk [tilespmem:v15+s9+$0x0], $0xffff  }
0xfa: {  	v16 =	vld.idx.msk [tilespmem:v16+s9+$0x0], $0xffff  }
0xfb: {  	v12 =	vld.idx.msk [tilespmem:v12+s9+$0x0], $0xffff  }
0xfc: {  	v9 =	vld.idx.msk [tilespmem:v9+s9+$0x0], $0xffff  }
0xfd: {  	v10 =	vld.idx.msk [tilespmem:v10+s9+$0x0], $0xffff;
	_ =	sdelay $0x3  }
0xfe: {  	v13 =	vsub.f32 v13, v16;
	v11 =	vsub.f32 v11, v12  }
0xff: {  	v14 =	vsub.f32 v14, v9;
	v10 =	vsub.f32 v10, v15  }
0x100: {  	v13 =	vmul.f32 v13, v6;
	v11 =	vmul.f32 v11, v6  }
0x101: {  	v14 =	vmul.f32 v14, v6;
	v10 =	vmul.f32 v10, v6  }
0x102: {  	v11 =	vadd.f32 v11, v12;
	v12 =	vadd.f32 v13, v16  }
0x103: {  	v9 =	vadd.f32 v14, v9;
	v10 =	vadd.f32 v10, v15;
	_ =	sdelay $0x1  }
0x104: {  	v11 =	vsub.f32 v11, v9;
	v10 =	vsub.f32 v10, v12;
	_ =	sdelay $0x1  }
0x105: {  	v11 =	vmul.f32 v11, v7;
	v10 =	vmul.f32 v10, v7;
	_ =	sdelay $0x1  }
0x106: {  	v9 =	vadd.f32 v11, v9;
	v10 =	vadd.f32 v10, v12;
	_ =	sdelay $0x1  }
0x107: {  	s29 =	simm.s32 $0x1;
	v9 =	vsub.f32 v9, v10  }
0x108: {  	v11 =	vadd.s32 s29, v4  }
0x109: {  	v12 =	vadd.s32 $0x2, v17;
	v9 =	vmul.f32 v9, v8;
	_ =	sdelay $0x1  }
0x10a: {  	v16 =	vadd.s32 $0x4EE, v17;
	v14 =	vadd.f32 v9, v10  }
0x10b: {  	v13 =	vadd.s32 $0x4B5, v17  }
0x10c: {  	v15 =	vadd.s32 $0x3E, v17;
	[tilespmem:v11+s22+$0x0] =	vst.idx.msk $0xffff, v14;
	v14 =	vadd.s32 $0x4F1, v17  }
0x10d: {  	s30 =	simm.s32 $0x10;
	s29 =	simm.s32 $0x2;
	v9 =	vadd.s32 $0x5, v17;
	v10 =	vadd.s32 $0x4B2, v17;
	v11 =	vadd.s32 $0x41, v17;
	v12 =	vld.idx.msk [tilespmem:v12+s9+$0x0], $0xffff  }
.LBB2_5:
0x10e: {  	s25 =	sadd.s32 $0x30, s25  }
0x10f: {  	v16 =	vld.idx.msk [tilespmem:v16+s9+$0x0], $0xffff;
	s28 =	sadd.s32 $0x10, s28;
	s26 =	sadd.s32 $0x10, s26;
	s31 =	smov.u32 s30  }
0x110: {  	p0 =	sne.s32 s30, $0x7F0;
	s30 =	sadd.s32 $0x10, s30;
	s0 =	sadd.s32 $0x2, s25;
	v13 =	vld.idx.msk [tilespmem:v13+s9+$0x0], $0xffff  }
0x111: {  	v14 =	vld.idx.msk [tilespmem:v14+s9+$0x0], $0xffff  }
0x112: {  	v15 =	vld.idx.msk [tilespmem:v15+s9+$0x0], $0xffff  }
0x113: {  	v11 =	vld.idx.msk [tilespmem:v11+s9+$0x0], $0xffff  }
0x114: {  	v10 =	vld.idx.msk [tilespmem:v10+s9+$0x0], $0xffff  }
0x115: {  	v9 =	vld.idx.msk [tilespmem:v9+s9+$0x0], $0xffff;
	_ =	sdelay $0x1  }
0x116: {  	v14 =	vsub.f32 v14, v16;
	_ =	sdelay $0x1  }
0x117: {  	v11 =	vsub.f32 v11, v15;
	v14 =	vmul.f32 v14, v6  }
0x118: {  	v13 =	vsub.f32 v13, v10  }
0x119: {  	v9 =	vsub.f32 v9, v12;
	v11 =	vmul.f32 v11, v6;
	v14 =	vadd.f32 v14, v16  }
0x11a: {  	v13 =	vmul.f32 v13, v6  }
0x11b: {  	v6 =	vmul.f32 v9, v6;
	v9 =	vadd.f32 v11, v15  }
0x11c: {  	v10 =	vadd.f32 v13, v10  }
0x11d: {  	v6 =	vadd.f32 v6, v12  }
0x11e: {  	v11 =	vsub.f32 v14, v10  }
0x11f: {  	v9 =	vsub.f32 v9, v6  }
0x120: {  	v11 =	vmul.f32 v11, v7  }
0x121: {  	v7 =	vmul.f32 v9, v7  }
0x122: {  	v9 =	vadd.f32 v11, v10  }
0x123: {  	v6 =	vadd.f32 v7, v6;
	_ =	sdelay $0x1  }
0x124: {  	v7 =	vsub.f32 v9, v6;
	v9 =	vadd.s32 s29, v4;
	s29 =	smov.u32 s0;
	_ =	sdelay $0x1  }
0x125: {  	v10 =	vmov s31;
	v7 =	vmul.f32 v7, v8  }
0x126: {  	v8 =	vshll.u32 v10, $0x4  }
0x127: {  	v8 =	vor.u32 v3, v8;
	v6 =	vadd.f32 v7, v6  }
0x128: {  	v7 =	vor.u32 $0x1, v8;
	v10 =	vor.u32 $0x3, v8;
	v11 =	vor.u32 $0xB, v8  }
0x129: {  	v12 =	vor.u32 $0x4, v8;
	v13 =	vor.u32 $0x6, v8;
	v14 =	vor.u32 $0x7, v8;
	[tilespmem:v9+s22+$0x0] =	vst.idx.msk $0xffff, v6  }
0x12a: {  	v15 =	vor.u32 $0x9, v8;
	v6 =	vor.u32 $0x2, v8;
	v9 =	vor.u32 $0x5, v8  }
0x12b: {  	v17 =	vor.u32 $0x8, v8;
	v18 =	vor.u32 $0xA, v8;
	v16 =	vld [tilespmem:s26+$0x0]  }
0x12c: {  	v8 =	vld.idx.msk [tilespmem:v8+s13+$0x0], $0xffff  }
0x12d: {  	v11 =	vld.idx.msk [tilespmem:v11+s13+$0x0], $0xffff  }
0x12e: {  	v7 =	vld.idx.msk [tilespmem:v7+s13+$0x0], $0xffff  }
0x12f: {  	v6 =	vld.idx.msk [tilespmem:v6+s13+$0x0], $0xffff  }
0x130: {  	v18 =	vld.idx.msk [tilespmem:v18+s13+$0x0], $0xffff  }
0x131: {  	v17 =	vld.idx.msk [tilespmem:v17+s13+$0x0], $0xffff  }
0x132: {  	v10 =	vld.idx.msk [tilespmem:v10+s13+$0x0], $0xffff  }
0x133: {  	v15 =	vld.idx.msk [tilespmem:v15+s13+$0x0], $0xffff  }
0x134: {  	v9 =	vld.idx.msk [tilespmem:v9+s13+$0x0], $0xffff  }
0x135: {  	v12 =	vld.idx.msk [tilespmem:v12+s13+$0x0], $0xffff  }
0x136: {  	v14 =	vld.idx.msk [tilespmem:v14+s13+$0x0], $0xffff  }
0x137: {  	v11 =	vsub.f32 v11, v17;
	v13 =	vld.idx.msk [tilespmem:v13+s13+$0x0], $0xffff  }
0x138: {  	v10 =	vsub.f32 v10, v8  }
0x139: {  	v11 =	vmul.f32 v11, v16  }
0x13a: {  	v10 =	vmul.f32 v10, v16;
	v9 =	vsub.f32 v9, v6  }
0x13b: {  	v12 =	vsub.f32 v12, v7;
	v11 =	vadd.f32 v11, v17  }
0x13c: {  	v17 =	vsub.f32 v18, v14;
	v9 =	vmul.f32 v9, v16  }
0x13d: {  	v15 =	vsub.f32 v15, v13;
	v12 =	vmul.f32 v12, v16  }
0x13e: {  	v17 =	vmul.f32 v17, v16;
	v6 =	vadd.f32 v9, v6;
	v18 =	vld [tilespmem:s28+$0x0]  }
0x13f: {  	v8 =	vadd.f32 v10, v8;
	v9 =	vmul.f32 v15, v16  }
0x140: {  	v7 =	vadd.f32 v12, v7;
	v10 =	vadd.f32 v17, v14  }
0x141: {  	v11 =	vsub.f32 v11, v6;
	v9 =	vadd.f32 v9, v13  }
0x142: {  	v10 =	vsub.f32 v10, v7  }
0x143: {  	v9 =	vsub.f32 v9, v8;
	v11 =	vmul.f32 v11, v18  }
0x144: {  	v10 =	vmul.f32 v10, v18  }
0x145: {  	v9 =	vmul.f32 v9, v18;
	v6 =	vadd.f32 v11, v6  }
0x146: {  	v7 =	vadd.f32 v10, v7  }
0x147: {  	v8 =	vadd.f32 v9, v8;
	v6 =	vmul.f32 $1.900000000e+01, v6  }
0x148: {  	v7 =	vmul.f32 $1.900000000e+01, v7  }
0x149: {  	v8 =	vmul.f32 $1.900000000e+01, v8;
	v9 =	vtrunc.f32 v6  }
0x14a: {  	v10 =	vtrunc.f32 v7;
	v9 =	vcvt.f32.s32 v9  }
0x14b: {  	v11 =	vtrunc.f32 v8;
	v10 =	vcvt.f32.s32 v10  }
0x14c: {  	v11 =	vcvt.f32.s32 v11;
	vm0 =	vlt.s32 v9, $0x12  }
0x14d: {  	vm1 =	vlt.s32 v10, $0x12;
	v9 =	vnsel vm0, $0x12, v9  }
0x14e: {  	vm0 =	vlt.s32 v11, $0x12;
	v10 =	vnsel vm1, $0x12, v10;
	v12 =	vcvt.s32.f32 v9  }
0x14f: {  	v11 =	vnsel vm0, $0x12, v11;
	v13 =	vcvt.s32.f32 v10  }
0x150: {  	v10 =	vmul.u32 $0x3C, v10;
	v14 =	vcvt.s32.f32 v11;
	v11 =	vmul.u32 $0x4B0, v11  }
0x151: {  	v9 =	vmul.u32 $0x3, v9  }
0x152: {  	v10 =	vadd.s32 v11, v10  }
0x153: {  	v11 =	vadd.s32 v9, v10  }
0x154: {  	v15 =	vadd.s32 $0x3, v11;
	v16 =	vadd.s32 $0x3C, v11;
	v17 =	vadd.s32 $0x3F, v11  }
0x155: {  	v18 =	vadd.s32 $0x4B0, v11;
	v19 =	vadd.s32 $0x4B3, v11;
	v20 =	vadd.s32 $0x4EC, v11  }
0x156: {  	v21 =	vadd.s32 $0x4EF, v11;
	v9 =	vadd.s32 $0x5, v11;
	v10 =	vadd.s32 $0x4B2, v11;
	_ =	sdelay $0x1  }
0x157: {  	v22 =	vld.idx.msk [tilespmem:v11+s9+$0x0], $0xffff  }
0x158: {  	v16 =	vld.idx.msk [tilespmem:v16+s9+$0x0], $0xffff  }
0x159: {  	v18 =	vld.idx.msk [tilespmem:v18+s9+$0x0], $0xffff  }
0x15a: {  	v17 =	vld.idx.msk [tilespmem:v17+s9+$0x0], $0xffff  }
0x15b: {  	v15 =	vld.idx.msk [tilespmem:v15+s9+$0x0], $0xffff  }
0x15c: {  	v20 =	vld.idx.msk [tilespmem:v20+s9+$0x0], $0xffff  }
0x15d: {  	v21 =	vld.idx.msk [tilespmem:v21+s9+$0x0], $0xffff  }
0x15e: {  	v19 =	vld.idx.msk [tilespmem:v19+s9+$0x0], $0xffff;
	_ =	sdelay $0x1  }
0x15f: {  	v6 =	vsub.f32 v6, v12;
	v12 =	vsub.f32 v17, v16  }
0x160: {  	v15 =	vsub.f32 v15, v22  }
0x161: {  	v12 =	vmul.f32 v6, v12  }
0x162: {  	v15 =	vmul.f32 v6, v15;
	v17 =	vsub.f32 v21, v20  }
0x163: {  	v12 =	vadd.f32 v12, v16;
	v16 =	vsub.f32 v19, v18  }
0x164: {  	v15 =	vadd.f32 v15, v22;
	v17 =	vmul.f32 v6, v17  }
0x165: {  	v7 =	vsub.f32 v7, v13;
	v13 =	vmul.f32 v6, v16  }
0x166: {  	v16 =	vadd.f32 v17, v20;
	v12 =	vsub.f32 v12, v15  }
0x167: {  	v13 =	vadd.f32 v13, v18  }
0x168: {  	v12 =	vmul.f32 v12, v7  }
0x169: {  	v16 =	vsub.f32 v16, v13;
	_ =	sdelay $0x1  }
0x16a: {  	v16 =	vmul.f32 v16, v7;
	_ =	sdelay $0x1  }
0x16b: {  	v12 =	vadd.f32 v12, v15;
	v13 =	vadd.f32 v16, v13  }
0x16c: {  	v15 =	vadd.s32 s25, v4  }
0x16d: {  	v8 =	vsub.f32 v8, v14;
	v14 =	vand.u32 $0x3FF8, v15;
	v13 =	vsub.f32 v13, v12  }
0x16e: {  	v14 =	vor.u32 v5, v14  }
0x16f: {  	v15 =	vadd.s32 $0x4F0, v11;
	v13 =	vmul.f32 v13, v8  }
0x170: {  	v16 =	vadd.s32 $0x4, v11  }
0x171: {  	v12 =	vadd.f32 v13, v12;
	v13 =	vadd.s32 $0x4ED, v11  }
0x172: {  	v17 =	vadd.s32 $0x4B4, v11  }
0x173: {  	[tilespmem:v14+s22+$0x0] =	vst.idx.msk $0xffff, v12;
	v12 =	vadd.s32 $0x4B1, v11  }
0x174: {  	v14 =	vadd.s32 $0x40, v11;
	v15 =	vld.idx.msk [tilespmem:v15+s9+$0x0], $0xffff  }
0x175: {  	v18 =	vadd.s32 $0x3D, v11;
	v16 =	vld.idx.msk [tilespmem:v16+s9+$0x0], $0xffff  }
0x176: {  	v19 =	vadd.s32 $0x1, v11;
	v13 =	vld.idx.msk [tilespmem:v13+s9+$0x0], $0xffff  }
0x177: {  	v17 =	vld.idx.msk [tilespmem:v17+s9+$0x0], $0xffff  }
0x178: {  	v12 =	vld.idx.msk [tilespmem:v12+s9+$0x0], $0xffff  }
0x179: {  	v14 =	vld.idx.msk [tilespmem:v14+s9+$0x0], $0xffff  }
0x17a: {  	v18 =	vld.idx.msk [tilespmem:v18+s9+$0x0], $0xffff  }
0x17b: {  	v19 =	vld.idx.msk [tilespmem:v19+s9+$0x0], $0xffff  }
0x17c: {  	v15 =	vsub.f32 v15, v13;
	_ =	sdelay $0x1  }
0x17d: {  	v17 =	vsub.f32 v17, v12;
	v15 =	vmul.f32 v15, v6;
	_ =	sdelay $0x1  }
0x17e: {  	v14 =	vsub.f32 v14, v18;
	v17 =	vmul.f32 v17, v6;
	v13 =	vadd.f32 v15, v13  }
0x17f: {  	v15 =	vsub.f32 v16, v19  }
0x180: {  	v14 =	vmul.f32 v14, v6;
	v12 =	vadd.f32 v17, v12  }
0x181: {  	v15 =	vmul.f32 v15, v6  }
0x182: {  	v14 =	vadd.f32 v14, v18;
	v13 =	vsub.f32 v13, v12  }
0x183: {  	v15 =	vadd.f32 v15, v19  }
0x184: {  	v13 =	vmul.f32 v13, v7  }
0x185: {  	v14 =	vsub.f32 v14, v15  }
0x186: {  	v12 =	vadd.f32 v13, v12  }
0x187: {  	v13 =	vmul.f32 v14, v7;
	_ =	sdelay $0x1  }
0x188: {  	v13 =	vadd.f32 v13, v15;
	_ =	sdelay $0x1  }
0x189: {  	s0 =	sadd.s32 $0x1, s25;
	v12 =	vsub.f32 v12, v13  }
0x18a: {  	v15 =	vadd.s32 s0, v4  }
0x18b: {  	v17 =	vadd.s32 $0x2, v11;
	v12 =	vmul.f32 v12, v8  }
.Ltmp1:
0x18c: {  	v16 =	vadd.s32 $0x4EE, v11;
	(pc) =	sbr.rel @p0 .LBB2_5-.Ltmp1, $4  }
0x18d: {  	v12 =	vadd.f32 v12, v13;
	v13 =	vadd.s32 $0x4B5, v11  }
0x18e: {  	v14 =	vadd.s32 $0x4F1, v11  }
0x18f: {  	[tilespmem:v15+s22+$0x0] =	vst.idx.msk $0xffff, v12;
	v15 =	vadd.s32 $0x3E, v11  }
0x190: {  	v11 =	vadd.s32 $0x41, v11;
	v12 =	vld.idx.msk [tilespmem:v17+s9+$0x0], $0xffff  }
0x191: {  	_ =	sdelay $0x3  }
0x192: {  	v16 =	vld.idx.msk [tilespmem:v16+s9+$0x0], $0xffff  }
0x193: {  	v13 =	vld.idx.msk [tilespmem:v13+s9+$0x0], $0xffff  }
0x194: {  	v14 =	vld.idx.msk [tilespmem:v14+s9+$0x0], $0xffff  }
0x195: {  	v15 =	vld.idx.msk [tilespmem:v15+s9+$0x0], $0xffff  }
0x196: {  	v11 =	vld.idx.msk [tilespmem:v11+s9+$0x0], $0xffff  }
0x197: {  	v10 =	vld.idx.msk [tilespmem:v10+s9+$0x0], $0xffff  }
0x198: {  	v9 =	vld.idx.msk [tilespmem:v9+s9+$0x0], $0xffff;
	_ =	sdelay $0x3  }
0x199: {  	v14 =	vsub.f32 v14, v16;
	v11 =	vsub.f32 v11, v15  }
0x19a: {  	v13 =	vsub.f32 v13, v10;
	v9 =	vsub.f32 v9, v12  }
0x19b: {  	v14 =	vmul.f32 v14, v6;
	v11 =	vmul.f32 v11, v6  }
0x19c: {  	v13 =	vmul.f32 v13, v6;
	v6 =	vmul.f32 v9, v6  }
0x19d: {  	v62 =	vadd.f32 v14, v16;
	v11 =	vadd.f32 v11, v15  }
0x19e: {  	v10 =	vadd.f32 v13, v10;
	v6 =	vadd.f32 v6, v12;
	_ =	sdelay $0x1  }
0x19f: {  	v9 =	vsub.f32 v62, v10;
	v11 =	vsub.f32 v11, v6;
	_ =	sdelay $0x1  }
0x1a0: {  	v9 =	vmul.f32 v9, v7;
	v7 =	vmul.f32 v11, v7;
	_ =	sdelay $0x1  }
0x1a1: {  	v9 =	vadd.f32 v9, v10;
	v6 =	vadd.f32 v7, v6;
	_ =	sdelay $0x1  }
0x1a2: {  	v7 =	vsub.f32 v9, v6  }
0x1a3: {  	v63 =	vadd.s32 s29, v4  }
0x1a4: {  	v7 =	vmul.f32 v7, v8  }
0x1a5: {  	s0 =	smul.u32 $0x3, s24  }
0x1a6: {  	s23 =	sadd.s32 $0x1, s23;
	v6 =	vadd.f32 v7, v6  }
0x1a7: {  	s31 =	rddreg [dreg:$0x1];
	p0 =	sne.s32 s23, $0x40;
	s0 =	sshrl.u32 s0, $0x3  }
.Ltmp2:
0x1a8: {  	s0 =	sadd.s32 s31, s0;
	[tilespmem:v63+s22+$0x0] =	vst.idx.msk $0xffff, v6;
	(pc) =	sbr.rel @p0 .LBB2_2-.Ltmp2, $4  }
0x1a9: {  	[hbm4b:s0+s2] =	stream.linear.scatter [tilespmem:s22], [sflag:$0x2], $0x1800, $0x38;
	[tilespmem:$0x11E00] =	vst v63  }
0x1aa: {  	_ =	swait.ge [sflag:s10], $0x1800  }
0x1ab: {  	[sflag:s10] =	ssyncset.done $0x0  }
0x1ac: {  	[sflag:s10] =	ssyncadd.s32 $0xFFFFE800  }
0x1ad: {  	s23 =	rddreg [dreg:$0x5]  }
0x1ae: {  	s0 =	rddreg [dreg:$0x4];
	s23 =	sadd.s32 $0x1, s23  }
0x1af: {  	p0 =	sne.s32 s23, s0  }
.Ltmp3:
0x1b0: {  	_ = 	snop;
	(pc) =	sbr.rel @p0 .LBB2_1-.Ltmp3, $1  }
0x1b1: {  	_ =	sdelay $0x3  }
0x1b2: {  	_ =	sfence.sel $0x180000  }
0x1b3: {  	[bflag:$0x0] =	sbarrier.arrive $0xFFFF  }
0x1b4: {  	_ =	strace $0x90000047  }
0x1b5: {  	s0 =	stileid.u32;
	[bflag:$0x2] =	sbarrier.arrive $0xFFFF  }
0x1b6: {  	p0 =	sne.s32 s0, $0x0;
	s0 =	rddreg [dreg:$0x2]  }
0x1b7: {  	s0 =	sadd.s32 @!p0 $0x100000, s0  }
0x1b8: {  	[sflag:s0] =	ssyncadd.tile.s32 @!p0 $0x1;
	_ =	shalt  }
.Lfunc_end2:
_tile_overlayer_lowered:
.L_overlay_start_2:
0x1b9: {  	(tag) =	ssettag $0x2  }
0x1ba: {  	s0 =	rddreg [dreg:$0x0];
	s2 =	stileid.u32  }
0x1bb: {  	s1 =	rddreg [dreg:$0x1];
	p0 =	sne.s32 s2, $0x0  }
0x1bc: {  	s3 =	rddreg [dreg:$0x2];
	[bflag:$0x3] =	sbarrier.arrive $0xFFFF;
	s2 =	simm.s32 @!p0 $0x1C02  }
0x1bd: {  	[timem:s3], [sflag:s2] =	dma.local @!p0 [hbm:s0], s1  }
0x1be: {  	s0 =	simm.s32 @!p0 $0x2  }
0x1bf: {  	_ =	swait.ge @!p0 [sflag:s0], s1  }
0x1c0: {  	s1 =	ssub.s32 @!p0 $0x0, s1;
	[sflag:s0] =	ssyncset.done @!p0 $0x0  }
0x1c1: {  	[sflag:s0] =	ssyncadd.s32 @!p0 s1  }
0x1c2: {  	[bflag:$0x3] =	sbarrier.arrive $0xFFFF  }
0x1c3: {  	_ =	shalt  }

// kernel: sparse-core-data-format-call.cloned.1.call-start
scs
called_computation_lowered:
.L_overlay_start_0:
0x0: {  	s2 =	sld [smem:$0x3FD9]  }
0x1: {  	s3 =	sld [smem:$0x3FFE];
	_ =	sdelay $0x1  }
0x2: {  	s1 =	srdreg.scid  }
0x3: {  	s0 =	sand.u32 $0x1, s1  }
0x4: {  	s18 =	sshll.u32 s0, $0xA;
	s2 =	sadd.s32 s3, s2  }
0x5: {  	s2 =	sadd.s32 s2, s18  }
0x6: {  	[smem:$0x3FC5] =	sst s2  }
0x7: {  	_ = 	snop  }
0x8: {  	s2 =	sld [smem:$0x3FD0];
	(tm) =	ssettm $0x1  }
0x9: {  	s19 =	sld [smem:$0x3FFB];
	_ =	sdelay $0x3  }
0xa: {  	_ =	strace s19  }
0xb: {  	s3 =	sld [smem:$0x3FFC];
	_ =	sdelay $0x3  }
0xc: {  	_ =	strace s3  }
0xd: {  	s3 =	sld [smem:$0x3FFD];
	_ =	sdelay $0x3  }
0xe: {  	_ =	strace s3  }
0xf: {  	_ =	strace $0x8FFFFFFF  }
0x10: {  	s20 =	sld [smem:$0x3FDB];
	_ =	sdelay $0x1  }
0x11: {  	s4 =	simm.s32 $_scs_section_size  }
0x12: {  	s5 =	simm.s32 $_size__tile_overlayer_lowered;
	s6 =	simm.s32 $_tile_overlayer_lowered  }
0x13: {  	s23 =	simm.s32 $0x1BFF;
	s22 =	sshll.u32 s6, $0x1;
	s3 =	sadd.s32 s4, s20  }
0x14: {  	s7 =	simm.s32 $0x0;
	s21 =	sshll.u32 s5, $0x1;
	s5 =	sadd.s32 s22, s3  }
0x15: {  	[timem:s7], [sflag:s23] =	dma.local [hbm:s5], s21  }
0x16: {  	_ =	swait.ge [sflag:s23], s21  }
0x17: {  	s4 =	ssub.s32 $0x0, s21;
	[sflag:s23] =	ssyncset.done $0x0  }
0x18: {  	[sflag:s23] =	ssyncadd.s32 s4;
	_ =	sdelay $0x1  }
0x19: {  	s24 =	simm.s32 $0x1B8B  }
0x1a: {  	_ =	swait.ge [sflag:s24], $0x1  }
0x1b: {  	[sflag:s24] =	ssyncset.done $0x0  }
0x1c: {  	s26 =	simm.s32 $0x1B8E;
	s25 =	sld [smem:$0x3FFE];
	[sflag:s24] =	ssyncadd.s32 $0xFFFFFFFF  }
0x1d: {  	s27 =	simm.s32 $execute0_lowered;
	[smem:$0x3FD2] =	sst s26  }
0x1e: {  	s5 =	sshll.u32 s27, $0x1;
	_ =	strace $0x80000049;
	[dreg:$0x1] =	wrdreg $0xFFFFFFFF  }
0x1f: {  	s28 =	simm.s32 $_size_execute0_lowered;
	s3 =	sadd.s32 s3, s5;
	[dreg:$0x0] =	wrdreg $0x0  }
0x20: {  	s5 =	sshll.u32 s28, $0x1;
	[dreg:$0x2] =	wrdreg s3  }
0x21: {  	[dreg:$0x3] =	wrdreg s5  }
0x22: {  	[dreg:$0x4] =	wrdreg $0xC0  }
0x23: {  	_ =	task [dreg:s7], $0x5FFFF  }
0x24: {  	[dreg:$0x1] =	wrdreg $0xFFFFFFFF  }
0x25: {  	[dreg:$0x0] =	wrdreg $0x60  }
0x26: {  	[dreg:$0x2] =	wrdreg s25  }
0x27: {  	[dreg:$0x3] =	wrdreg s2  }
0x28: {  	[dreg:$0x4] =	wrdreg $0x9  }
0x29: {  	_ =	task.clear_ibuf [dreg:s7], $0x5FFFF;
	_ =	strace $0x90000049  }
0x2a: {  	s29 =	simm.s32 $0x9;
	_ =	strace $0x8000004B  }
0x2b: {  	_ =	swait.ge [sflag:s29], $0x1  }
0x2c: {  	[sflag:s29] =	ssyncadd.s32 $0xFFFFFFFF  }
0x2d: {  	_ =	strace $0x9000004B  }
0x2e: {  	_ =	sfence  }
0x2f: {  	s30 =	sld [smem:$0x0];
	_ =	sdelay $0x2  }
0x30: {  	s31 =	sshll.u32 s1, $0xD;
	s1 =	sshrl.u32 s1, $0x2  }
0x31: {  	s3 =	sand.u32 $0x4000, s31;
	s1 =	sadd.s32 s1, s30  }
0x32: {  	s0 =	sor.u32 s3, s0;
	s1 =	sshll.u32 s1, $0x11  }
0x33: {  	s0 =	sor.u32 s1, s0  }
0x34: {  	s0 =	sadd.s32 $0x8F2B, s0  }
0x35: {  	[sflag:s0] =	ssyncadd.remote.s32 $0x1  }
0x36: {  	_ =	sfence.sel $0xFFFF  }
0x37: {  	[dreg:$0x0] =	wrdreg $0xFFFFFFFF;
	(pc) =	sbr.abs _section_cstart, $3  }
0x38: {  	[dreg:$0x1] =	wrdreg $0xFFFFFFFF  }
0x39: {  	_ =	task.clear_ibuf [dreg:s7], $0x2FFFF;
	_ =	strace $0x9FFFFFFF  }
0x3a: {  	(tm) =	ssettm $0x7FFFFFFF  }
0x3b: {  	_ =	shalt  }
tec
execute0_lowered:
.L_overlay_start_1:
0x0: {  	(tag) =	ssettag $0x1  }
0x1: {  	s0 =	srdreg.scid  }
0x2: {  	s5 =	rddreg [dreg:$0x0];
	s1 =	sshll.u32 s0, $0x4  }
0x3: {  	s2 =	rddreg [dreg:$0x1];
	s0 =	stileid.u32;
	s1 =	sand.u32 $0x10, s1  }
0x4: {  	s4 =	simm.s32 $0x1;
	s8 =	simm.s32 $0x2;
	s1 =	sor.u32 s0, s1  }
0x5: {  	s12 =	simm.s32 $0x0;
	s9 =	simm.s32 $0x0;
	s3 =	sshll.u32 s1, $0x7  }
0x6: {  	s11 =	simm.s32 $0x0;
	s5 =	sadd.s32 $0xE00, s5;
	s6 =	ssub.s32 $0x400000, s3  }
.Ltmp0:
0x7: {  	s1 =	rddreg [dreg:$0x2];
	s7 =	sand.u32 $0xF80, s6;
	(pc) =	sbr.rel .LBB1_1-.Ltmp0, $4  }
0x8: {  	_ =	strace $0x8000004A;
	p0 =	sne.s32 s7, $0x0;
	s7 =	simm.s32 $0x1  }
0x9: {  	[sflag:s4] =	ssyncpa.u1 $0x0;
	s6 =	sshrl.u32 s6, $0xC;
	s7 =	simm.s32 @!p0 $0x0  }
0xa: {  	s10 =	smov.u32 s3;
	[sflag:s8] =	ssyncpa.u1 $0x0;
	s6 =	sadd.s32 s7, s6  }
0xb: {  	s8 =	simm.s32 $0x1000000;
	p0 =	por $0x0, $0x0;
	s7 =	sadd.s32 $0x1, s6  }
.LBB1_4:
0xc: {  	p1 =	sgt.s32 s9, $0x3FFF80;
	s15 =	smov.u32 s9;
	s16 =	sshra.s32 s9, $0x1F  }
0xd: {  	s15 =	simm.s32 @!p1 $0x3FFF80;
	s16 =	sand.u32 s16, s9  }
0xe: {  	s15 =	ssub.s32 s15, s16  }
0xf: {  	s28 =	sand.u32 $0x78, s9;
	s17 =	sshll.u32 s9, $0x2;
	s15 =	sadd.s32 $0xFFC00080, s15  }
0x10: {  	s17 =	sand.u32 $0xFFFE00, s17;
	p1 =	sgt.s32 s15, $0x7F;
	s15 =	sshll.u32 s15, $0x4  }
0x11: {  	s29 =	sand.u32 $0x7, s9;
	s16 =	sor.u32 s28, s17;
	s15 =	ssub.s32 $0x800, s15  }
0x12: {  	s17 =	sshll.u32 s29, $0x12;
	s16 =	sshrl.u32 s16, $0x3;
	s15 =	sshrl.u32 s15, $0x2  }
0x13: {  	[tilespmem:s14+$0x0 ss:$0x81] =	vst.msk $0xffff, v0;
	s31 =	sor.u32 $0x200, s17;
	s30 =	sadd.s32 s2, s16;
	s15 =	simm.s32 @p1 $0x0  }
0x14: {  	[hbm4b:s30+s31] =	stream.strided.scatter [tilespmem:s13], [sflag:$0x2], s15, s8, s31, $0x20;
	[tilespmem:$0x4040] =	vst v63  }
.LBB1_5:
0x15: {  	p1 =	slt.u32 s11, $0x2  }
0x16: {  	p2 =	sgt.s32 @!p1 s12, $0x3FFF80  }
0x17: {  	s13 =	smov.u32 s12;
	s14 =	sshra.s32 @!p1 s12, $0x1F;
	p2 =	por !p2, p1  }
0x18: {  	s12 =	sand.u32 @!p1 s14, s12;
	s13 =	simm.s32 @p2 $0x3FFF80  }
0x19: {  	s12 =	ssub.s32 @!p1 s13, s12  }
0x1a: {  	s12 =	sadd.s32 @!p1 $0xFFC00080, s12  }
0x1b: {  	s13 =	sshll.u32 @!p1 s12, $0x4  }
0x1c: {  	p2 =	sgt.s32 @!p1 s12, $0x7F;
	s12 =	ssub.s32 @!p1 $0x800, s13  }
0x1d: {  	s14 =	sadd.s32 $0x1000, s10;
	p2 =	por !p2, p1;
	s12 =	sshrl.u32 @!p1 s12, $0x2  }
0x1e: {  	s12 =	simm.s32 @!p2 $0x0;
	p2 =	sgt.s32 s14, $0x3FFFFF  }
0x1f: {  	s14 =	smov.u32 @p2 s3;
	p2 =	sne.s32 s11, s7  }
.Ltmp1:
0x20: {  	_ = 	snop;
	(pc) =	sbr.rel @!p2 .LBB1_6-.Ltmp1, $4  }
0x21: {  	s13 =	simm.s32 @!p1 $0x2  }
0x22: {  	p0 =	por !p0, !p0;
	_ =	swait.ge @!p1 [sflag:s13], s12;
	s15 =	ssub.s32 @!p1 $0x0, s12  }
0x23: {  	s12 =	smov.u32 s9;
	s11 =	sadd.s32 $0x1, s11;
	[sflag:s13] =	ssyncset.done @!p1 $0x0  }
0x24: {  	s9 =	smov.u32 s10;
	s10 =	smov.u32 s14;
	[sflag:s13] =	ssyncadd.s32 @!p1 s15  }
.LBB1_1:
0x25: {  	p1 =	sge.u32 s11, s6  }
0x26: {  	s31 =	sadd.s32 $0xFFFFFFFF, s11;
	s13 =	sxor.u32 @!p1 $0xFFFFFFFF, s11;
	s14 =	sshll.u32 @!p1 s10, $0x4  }
0x27: {  	s15 =	simm.s32 @!p1 $0x20;
	s13 =	sshll.u32 @!p1 s13, $0xC;
	s14 =	sand.u32 @!p1 $0x3FFFFF0, s14  }
0x28: {  	s16 =	simm.s32 @!p1 $0x80;
	s13 =	sand.u32 @!p1 $0x1000, s13;
	s14 =	sadd.s32 @!p1 s5, s14  }
0x29: {  	[tilespmem:s13], [sflag:$0x1] =	stream.strided.gather @!p1 [hbm4b:s14+s15], $0x1000, s16, s15, $0x38;
	[tilespmem:$0x4040] =	vst v63  }
0x2a: {  	p1 =	sge.u32 s31, s6  }
.Ltmp2:
0x2b: {  	_ = 	snop;
	(pc) =	sbr.rel @p1 .LBB1_5-.Ltmp2, $1  }
0x2c: {  	_ =	sdelay $0x3  }
0x2d: {  	s13 =	simm.s32 $0x1  }
0x2e: {  	_ =	swait.ge [sflag:s4], $0x1000;
	s13 =	simm.s32 @!p0 $0x0  }
0x2f: {  	[sflag:s4] =	ssyncset.done $0x0;
	s14 =	sshll.u32 s13, $0xC  }
0x30: {  	[sflag:s4] =	ssyncadd.s32 $0xFFFFF000;
	s17 =	sor.u32 $0x10, s14  }
0x31: {  	s13 =	smul.u32 $0x4080, s13;
	v1 =	vld [tilespmem:s17+$0x0]  }
0x32: {  	s30 =	sand.u32 $0x1, s11;
	v0 =	vld [tilespmem:s17+$0xFFFFFFF0]  }
0x33: {  	s14 =	smul.u32 $0x4080, s30;
	s13 =	sshrl.u32 s13, $0x2  }
0x34: {  	s15 =	sor.u32 $0x2000, s13  }
0x35: {  	s31 =	sshrl.u32 s14, $0x2;
	s14 =	sadd.s32 $0x0, s15  }
0x36: {  	s16 =	simm.s32 $0x4;
	s17 =	sadd.s32 $0x20, s17;
	s13 =	sor.u32 $0x2000, s31;
	[tilespmem:s14+$0x810 ss:$0x81] =	vst.msk $0xffff, v1  }
.LBB1_3:
0x37: {  	v1 =	vld [tilespmem:s17+$0x0];
	p1 =	sne.s32 s16, $0x1FC;
	[tilespmem:s14+$0x0 ss:$0x81] =	vst.msk $0xffff, v0;
	s14 =	smov.u32 s16;
	s16 =	sadd.s32 $0x4, s16  }
.Ltmp3:
0x38: {  	v0 =	vld [tilespmem:s17+$0xFFFFFFF0];
	(pc) =	sbr.rel @p1 .LBB1_3-.Ltmp3, $4  }
0x39: {  	_ = 	snop  }
0x3a: {  	s14 =	sshra.s32 s14, $0x2  }
0x3b: {  	s14 =	sadd.s32 s14, s15  }
0x3c: {  	s17 =	sadd.s32 $0x20, s17;
	[tilespmem:s14+$0x810 ss:$0x81] =	vst.msk $0xffff, v1  }
.Ltmp4:
0x3d: {  	_ = 	snop;
	(pc) =	sbr.rel .LBB1_4-.Ltmp4, $1  }
0x3e: {  	_ =	sdelay $0x3  }
.LBB1_6:
0x3f: {  	_ =	sfence.sel $0x180000  }
0x40: {  	s2 =	simm.s32 $0x1;
	[bflag:$0x0] =	sbarrier.arrive $0xFFFF  }
0x41: {  	s31 =	simm.s32 $0x2;
	[sflag:s2] =	ssyncpa.u1 $0x1  }
0x42: {  	[sflag:s31] =	ssyncpa.u1 $0x1  }
0x43: {  	p0 =	sne.s32 s0, $0x0;
	_ =	strace $0x9000004A  }
0x44: {  	s0 =	sadd.s32 @!p0 $0x100000, s1;
	[bflag:$0x2] =	sbarrier.arrive $0xFFFF  }
0x45: {  	[sflag:s0] =	ssyncadd.tile.s32 @!p0 $0x1;
	_ =	shalt  }
.Lfunc_end1:
_tile_overlayer_lowered:
.L_overlay_start_2:
0x46: {  	(tag) =	ssettag $0x2  }
0x47: {  	s0 =	rddreg [dreg:$0x0];
	s2 =	stileid.u32  }
0x48: {  	s1 =	rddreg [dreg:$0x1];
	p0 =	sne.s32 s2, $0x0  }
0x49: {  	s3 =	rddreg [dreg:$0x2];
	[bflag:$0x3] =	sbarrier.arrive $0xFFFF;
	s2 =	simm.s32 @!p0 $0x1C01  }
0x4a: {  	[timem:s3], [sflag:s2] =	dma.local @!p0 [hbm:s0], s1  }
0x4b: {  	s0 =	simm.s32 @!p0 $0x1  }
0x4c: {  	_ =	swait.ge @!p0 [sflag:s0], s1  }
0x4d: {  	s1 =	ssub.s32 @!p0 $0x0, s1;
	[sflag:s0] =	ssyncset.done @!p0 $0x0  }
0x4e: {  	[sflag:s0] =	ssyncadd.s32 @!p0 s1  }
0x4f: {  	[bflag:$0x3] =	sbarrier.arrive $0xFFFF  }
0x50: {  	_ =	shalt  }

</sc_bundles>
